<compile_context>
chip_gen: v7x
topology: tpu7x:2x2x1
jax: 0.10.2.dev20260603
libtpu: 0.0.44.dev20260713+nightly
codegen_flags: <defaults>
</compile_context>

<pallas_src>
import functools
import math

import jax
import jax.numpy as jnp
from jax.experimental import pallas as pl
from jax.experimental.pallas import tpu as pltpu
from jax.experimental.pallas import tpu_sc as plsc

B = 16
N = 32768
D = 256
H1 = 512
H2 = 256
C = 50

_NC = 2
_NS = 16
_NW = _NC * _NS
_CH = 128
_DL = D // 16
_NCHUNK = N // _CH
_TCG = 8
_RPG = N // _TCG
_CPG = _NCHUNK // _TCG


def _sc_partials_body(feat_hbm, offs_hbm, out_hbm,
                      offs_v, buf, row, off_s, sem):
    cid = jax.lax.axis_index("c")
    sid = jax.lax.axis_index("s")
    wid = sid * _NC + cid

    pltpu.sync_copy(offs_hbm.at[pl.ds(0, 16)], offs_v)
    offv = offs_v[pl.ds(0, 16)]
    for i in range(16):
        off_s[i] = offv[i]

    b = off_s[jnp.minimum(wid, 14) + 1]
    nrows = jax.lax.rem(b, _CH)
    start = pl.multiple_of(b - nrows, _CH)
    pltpu.sync_copy(feat_hbm.at[pl.ds(start, _CH)], buf)

    zero = jnp.zeros((16,), jnp.float32)

    def body(r, regs):
        return tuple(regs[dd] + buf[r, pl.ds(dd * 16, 16)]
                     for dd in range(_DL))
    regs = plsc.parallel_loop(
        0, nrows, 1, carry=tuple(zero for _ in range(_DL)))(body)

    for dd in range(_DL):
        row[0, pl.ds(dd * 16, 16)] = regs[dd]
    pltpu.sync_copy(row, out_hbm.at[pl.ds(wid, 1)])


_sc_partials = functools.partial(
    pl.kernel,
    out_type=jax.ShapeDtypeStruct((_NW, D), jnp.float32),
    mesh=plsc.VectorSubcoreMesh(core_axis_name="c", subcore_axis_name="s"),
    scratch_types=[
        pltpu.VMEM((16,), jnp.int32),
        pltpu.VMEM((_CH, D), jnp.float32),
        pltpu.VMEM((1, D), jnp.float32),
        pltpu.SMEM((16,), jnp.int32),
        pltpu.SemaphoreType.DMA,
    ],
)(_sc_partials_body)


def _chunksum_body(x_ref, o_ref):
    r = jax.lax.broadcasted_iota(jnp.int32, (_CPG, _RPG), 1)
    k = jax.lax.broadcasted_iota(jnp.int32, (_CPG, _RPG), 0)
    sel = (r // _CH == k).astype(jnp.float32)
    o_ref[...] = jnp.dot(sel, x_ref[...], preferred_element_type=jnp.float32)


def _coeffs(off):
    c = jnp.arange(_NCHUNK, dtype=jnp.int32)
    Pchunk = (c[None, :] < (off[:, None] // _CH)).astype(jnp.float32)
    Ppart = jnp.zeros((B + 1, _NW), jnp.float32)
    Ppart = Ppart.at[jnp.arange(1, 16), jnp.arange(0, 15)].set(1.0)
    return Pchunk[1:] - Pchunk[:-1], Ppart[1:] - Ppart[:-1]


def _erf(x):
    a1, a2, a3, a4, a5 = (0.254829592, -0.284496736, 1.421413741,
                          -1.453152027, 1.061405429)
    p = 0.3275911
    ax = jnp.abs(x)
    t = 1.0 / (1.0 + p * ax)
    poly = t * (a1 + t * (a2 + t * (a3 + t * (a4 + t * a5))))
    y = 1.0 - poly * jnp.exp(-ax * ax)
    return jnp.sign(x) * y


def _gelu(x):
    return 0.5 * x * (1.0 + _erf(x * (1.0 / math.sqrt(2.0))))


def _layernorm(x, g, b, eps=1e-5):
    m = jnp.mean(x, axis=-1, keepdims=True)
    v = jnp.mean((x - m) ** 2, axis=-1, keepdims=True)
    return (x - m) * jax.lax.rsqrt(v + eps) * g + b


def _mlp_body(chunks_ref, parts_ref, coefc_ref, coefp_ref, counts_ref,
              W1_ref, b1_ref, g1_ref, be1_ref, W2_ref, b2_ref, g2_ref,
              be2_ref, W3_ref, b3_ref, out_ref):
    sums = (jnp.dot(coefc_ref[...], chunks_ref[...],
                    preferred_element_type=jnp.float32)
            + jnp.dot(coefp_ref[...], parts_ref[...],
                      preferred_element_type=jnp.float32))
    means = sums / jnp.maximum(counts_ref[...], 1.0)
    h = jnp.dot(means, W1_ref[...], preferred_element_type=jnp.float32)
    h = h + b1_ref[...]
    h = _layernorm(h, g1_ref[...], be1_ref[...])
    h = _gelu(h)
    h = jnp.dot(h, W2_ref[...], preferred_element_type=jnp.float32)
    h = h + b2_ref[...]
    h = _layernorm(h, g2_ref[...], be2_ref[...])
    h = _gelu(h)
    out = jnp.dot(h, W3_ref[...], preferred_element_type=jnp.float32)
    out_ref[...] = out + b3_ref[...]


@jax.jit
def kernel(feat, offsets, W1, b1, g1, be1, W2, b2, g2, be2, W3, b3):
    off = offsets.astype(jnp.int32)
    counts = (off[1:] - off[:-1]).reshape(B, 1).astype(jnp.float32)
    coefc, coefp = _coeffs(off)

    parts = _sc_partials(feat, off)

    chunks = pl.pallas_call(
        _chunksum_body,
        grid=(_TCG,),
        in_specs=[pl.BlockSpec((_RPG, D), lambda i: (i, 0))],
        out_specs=pl.BlockSpec((_CPG, D), lambda i: (i, 0)),
        out_shape=jax.ShapeDtypeStruct((_NCHUNK, D), jnp.float32),
    )(feat)

    out = pl.pallas_call(
        _mlp_body,
        in_specs=[
            pl.BlockSpec((_NCHUNK, D), lambda: (0, 0)),
            pl.BlockSpec((_NW, D), lambda: (0, 0)),
            pl.BlockSpec((B, _NCHUNK), lambda: (0, 0)),
            pl.BlockSpec((B, _NW), lambda: (0, 0)),
            pl.BlockSpec((B, 1), lambda: (0, 0)),
            pl.BlockSpec((D, H1), lambda: (0, 0)),
            pl.BlockSpec((1, H1), lambda: (0, 0)),
            pl.BlockSpec((1, H1), lambda: (0, 0)),
            pl.BlockSpec((1, H1), lambda: (0, 0)),
            pl.BlockSpec((H1, H2), lambda: (0, 0)),
            pl.BlockSpec((1, H2), lambda: (0, 0)),
            pl.BlockSpec((1, H2), lambda: (0, 0)),
            pl.BlockSpec((1, H2), lambda: (0, 0)),
            pl.BlockSpec((H2, C), lambda: (0, 0)),
            pl.BlockSpec((1, C), lambda: (0, 0)),
        ],
        out_specs=pl.BlockSpec((B, C), lambda: (0, 0)),
        out_shape=jax.ShapeDtypeStruct((B, C), jnp.float32),
    )(chunks, parts, coefc, coefp, counts, W1, b1.reshape(1, H1),
      g1.reshape(1, H1), be1.reshape(1, H1), W2, b2.reshape(1, H2),
      g2.reshape(1, H2), be2.reshape(1, H2), W3, b3.reshape(1, C))
    return out

# --- scband reference (transcript-rebuilt; emitter-appended) ---
"""Pipeline reference for scband-event-categorization-head-11424613007667 (READ-ONLY COPY).

The authoritative reference and input builder live on the scoring server;
editing this copy changes nothing except your own understanding.
"""

import jax, jax.numpy as jnp
import numpy as np

B = 16
N = 32768
D = 256
H1 = 512
H2 = 256
C = 50


def _layernorm(x, g, b, eps=1e-5):
    m = jnp.mean(x, axis=-1, keepdims=True)
    v = jnp.var(x, axis=-1, keepdims=True)
    return (x - m) / jnp.sqrt(v + eps) * g + b


def setup_inputs(seed: int = 0) -> dict:
    key = jax.random.key(seed)
    ks = jax.random.split(key, 8)
    feat = jax.random.normal(ks[0], (N, D), dtype=jnp.float32)
    offsets = jnp.sort(jax.random.randint(ks[1], (B + 1,), 0, N, dtype=jnp.int32))
    offsets = offsets.at[0].set(0).at[-1].set(N)
    W1 = (jax.random.normal(ks[2], (D, H1), dtype=jnp.float32) * 0.02)
    b1 = jnp.zeros((H1,), dtype=jnp.float32)
    g1 = jnp.ones((H1,), dtype=jnp.float32)
    be1 = jnp.zeros((H1,), dtype=jnp.float32)
    W2 = (jax.random.normal(ks[3], (H1, H2), dtype=jnp.float32) * 0.02)
    b2 = jnp.zeros((H2,), dtype=jnp.float32)
    g2 = jnp.ones((H2,), dtype=jnp.float32)
    be2 = jnp.zeros((H2,), dtype=jnp.float32)
    W3 = (jax.random.normal(ks[4], (H2, C), dtype=jnp.float32) * 0.02)
    b3 = jnp.zeros((C,), dtype=jnp.float32)
    return {"feat": feat, "offsets": offsets, "W1": W1, "b1": b1, "g1": g1, "be1": be1,
            "W2": W2, "b2": b2, "g2": g2, "be2": be2, "W3": W3, "b3": b3}


def reference(feat, offsets, W1, b1, g1, be1, W2, b2, g2, be2, W3, b3):
    # segment mean over ragged point features (per-event mean pooling)
    boundaries = offsets[1:-1]
    seg_ids = jnp.searchsorted(boundaries, jnp.arange(N, dtype=offsets.dtype), side='right')
    sums = jax.ops.segment_sum(feat, seg_ids, num_segments=B)
    counts = jax.ops.segment_sum(jnp.ones((N,), dtype=feat.dtype), seg_ids, num_segments=B)
    means = sums / jnp.maximum(counts, 1.0)[:, None]
    # classifier MLP (dropout = identity in eval)
    h = means @ W1 + b1
    h = _layernorm(h, g1, be1)
    h = jax.nn.gelu(h, approximate=False)
    h = h @ W2 + b2
    h = _layernorm(h, g2, be2)
    h = jax.nn.gelu(h, approximate=False)
    out = h @ W3 + b3
    return out

if __name__ == "__main__":
    import jax
    _d = setup_inputs()
    print(jax.jit(kernel)(*tuple(_d.values())))

</pallas_src>

<mosaic_0001>
#map = affine_map<(d0, d1) -> (0, 0)>
#map1 = affine_map<(d0, d1) -> (0)>
module attributes {stable_mosaic.version = 14 : i64} {
  func.func @_sc_partials_body(%arg0: i32, %arg1: i32, %arg2: memref<32768x256xf32, #tpu.memory_space<hbm>>, %arg3: memref<17xi32, #tpu.memory_space<hbm>>, %arg4: memref<32x256xf32, #tpu.memory_space<hbm>>, %arg5: memref<16xi32, #tpu.memory_space<vmem>>, %arg6: memref<128x256xf32, #tpu.memory_space<vmem>>, %arg7: memref<1x256xf32, #tpu.memory_space<vmem>>, %arg8: memref<16xi32, #tpu.memory_space<smem>>, %arg9: memref<!tpu.dma_semaphore, #tpu.memory_space<semaphore_mem>>) attributes {dimension_semantics = [#tpu.dimension_semantics<core_parallel>, #tpu.dimension_semantics<subcore_parallel>], iteration_bounds = array<i64: 2, 16>, scalar_prefetch = 0 : i64, scratch_operands = 5 : i64, tpu.core_type = #tpu.core_type<sc_vector_subcore>, window_params = [{transform_indices = #map}, {transform_indices = #map1}, {transform_indices = #map}]} {
    %mul3A = arith.constant 2 : i32
    %mul3A_0 = arith.muli %arg1, %mul3A : i32
    %add3A = arith.addi %mul3A_0, %arg0 : i32
    "tpu.region"() ({
      %run_scoped3A = tpu.sem_alloc : memref<!tpu.dma_semaphore, #tpu.memory_space<semaphore_mem>>
      %dma_start3A = arith.constant 0 : i32
      %dma_start3A_185 = tpu.memref_slice %arg3[%dma_start3A] : memref<17xi32, #tpu.memory_space<hbm>> -> memref<16xi32, #tpu.memory_space<hbm>>
      %dma_start3A_186 = arith.constant 0 : i32
      %dma_start3A_187 = tpu.memref_slice %arg3[%dma_start3A_186] : memref<17xi32, #tpu.memory_space<hbm>> -> memref<16xi32, #tpu.memory_space<hbm>>
      tpu.enqueue_dma source(%dma_start3A_187 : memref<16xi32, #tpu.memory_space<hbm>>) target(%arg5 : memref<16xi32, #tpu.memory_space<vmem>>) target_semaphore(%run_scoped3A : memref<!tpu.dma_semaphore, #tpu.memory_space<semaphore_mem>>)
      %dma_wait3A = arith.constant 0 : i32
      %dma_wait3A_188 = tpu.memref_slice %arg3[%dma_wait3A] : memref<17xi32, #tpu.memory_space<hbm>> -> memref<16xi32, #tpu.memory_space<hbm>>
      %dma_wait3A_189 = arith.constant 0 : i32
      %dma_wait3A_190 = tpu.memref_slice %arg3[%dma_wait3A_189] : memref<17xi32, #tpu.memory_space<hbm>> -> memref<16xi32, #tpu.memory_space<hbm>>
      tpu.wait_dma2 semaphore(%run_scoped3A : memref<!tpu.dma_semaphore, #tpu.memory_space<semaphore_mem>>) src(%dma_wait3A_190 : memref<16xi32, #tpu.memory_space<hbm>>) dst(%arg5 : memref<16xi32, #tpu.memory_space<vmem>>)
      tpu.yield
    }) : () -> ()
    %get3A = arith.constant 0 : index
    %get3A_1 = tpu.vector_load %arg5[%get3A] {strides = array<i32>} : memref<16xi32, #tpu.memory_space<vmem>>, vector<16xi32>,
    %get3A_2 = vector.shape_cast %get3A_1 : vector<16xi32> to vector<16xi32>
    %slice3A = vector.extract_strided_slice %get3A_2 {offsets = [0], sizes = [1], strides = [1]} : vector<16xi32> to vector<1xi32>
    %squeeze3A = vector.extract %slice3A[0] : i32 from vector<1xi32>
    %swap3A = arith.constant 0 : i32
    %swap3A_3 = arith.index_cast %swap3A : i32 to index
    %swap3A_4 = memref.load %arg8[%swap3A_3] : memref<16xi32, #tpu.memory_space<smem>>
    memref.store %squeeze3A, %arg8[%swap3A_3] : memref<16xi32, #tpu.memory_space<smem>>
    %slice3A_5 = vector.extract_strided_slice %get3A_2 {offsets = [1], sizes = [1], strides = [1]} : vector<16xi32> to vector<1xi32>
    %squeeze3A_6 = vector.extract %slice3A_5[0] : i32 from vector<1xi32>
    %swap3A_7 = arith.constant 1 : i32
    %swap3A_8 = arith.index_cast %swap3A_7 : i32 to index
    %swap3A_9 = memref.load %arg8[%swap3A_8] : memref<16xi32, #tpu.memory_space<smem>>
    memref.store %squeeze3A_6, %arg8[%swap3A_8] : memref<16xi32, #tpu.memory_space<smem>>
    %slice3A_10 = vector.extract_strided_slice %get3A_2 {offsets = [2], sizes = [1], strides = [1]} : vector<16xi32> to vector<1xi32>
    %squeeze3A_11 = vector.extract %slice3A_10[0] : i32 from vector<1xi32>
    %swap3A_12 = arith.constant 2 : i32
    %swap3A_13 = arith.index_cast %swap3A_12 : i32 to index
    %swap3A_14 = memref.load %arg8[%swap3A_13] : memref<16xi32, #tpu.memory_space<smem>>
    memref.store %squeeze3A_11, %arg8[%swap3A_13] : memref<16xi32, #tpu.memory_space<smem>>
    %slice3A_15 = vector.extract_strided_slice %get3A_2 {offsets = [3], sizes = [1], strides = [1]} : vector<16xi32> to vector<1xi32>
    %squeeze3A_16 = vector.extract %slice3A_15[0] : i32 from vector<1xi32>
    %swap3A_17 = arith.constant 3 : i32
    %swap3A_18 = arith.index_cast %swap3A_17 : i32 to index
    %swap3A_19 = memref.load %arg8[%swap3A_18] : memref<16xi32, #tpu.memory_space<smem>>
    memref.store %squeeze3A_16, %arg8[%swap3A_18] : memref<16xi32, #tpu.memory_space<smem>>
    %slice3A_20 = vector.extract_strided_slice %get3A_2 {offsets = [4], sizes = [1], strides = [1]} : vector<16xi32> to vector<1xi32>
    %squeeze3A_21 = vector.extract %slice3A_20[0] : i32 from vector<1xi32>
    %swap3A_22 = arith.constant 4 : i32
    %swap3A_23 = arith.index_cast %swap3A_22 : i32 to index
    %swap3A_24 = memref.load %arg8[%swap3A_23] : memref<16xi32, #tpu.memory_space<smem>>
    memref.store %squeeze3A_21, %arg8[%swap3A_23] : memref<16xi32, #tpu.memory_space<smem>>
    %slice3A_25 = vector.extract_strided_slice %get3A_2 {offsets = [5], sizes = [1], strides = [1]} : vector<16xi32> to vector<1xi32>
    %squeeze3A_26 = vector.extract %slice3A_25[0] : i32 from vector<1xi32>
    %swap3A_27 = arith.constant 5 : i32
    %swap3A_28 = arith.index_cast %swap3A_27 : i32 to index
    %swap3A_29 = memref.load %arg8[%swap3A_28] : memref<16xi32, #tpu.memory_space<smem>>
    memref.store %squeeze3A_26, %arg8[%swap3A_28] : memref<16xi32, #tpu.memory_space<smem>>
    %slice3A_30 = vector.extract_strided_slice %get3A_2 {offsets = [6], sizes = [1], strides = [1]} : vector<16xi32> to vector<1xi32>
    %squeeze3A_31 = vector.extract %slice3A_30[0] : i32 from vector<1xi32>
    %swap3A_32 = arith.constant 6 : i32
    %swap3A_33 = arith.index_cast %swap3A_32 : i32 to index
    %swap3A_34 = memref.load %arg8[%swap3A_33] : memref<16xi32, #tpu.memory_space<smem>>
    memref.store %squeeze3A_31, %arg8[%swap3A_33] : memref<16xi32, #tpu.memory_space<smem>>
    %slice3A_35 = vector.extract_strided_slice %get3A_2 {offsets = [7], sizes = [1], strides = [1]} : vector<16xi32> to vector<1xi32>
    %squeeze3A_36 = vector.extract %slice3A_35[0] : i32 from vector<1xi32>
    %swap3A_37 = arith.constant 7 : i32
    %swap3A_38 = arith.index_cast %swap3A_37 : i32 to index
    %swap3A_39 = memref.load %arg8[%swap3A_38] : memref<16xi32, #tpu.memory_space<smem>>
    memref.store %squeeze3A_36, %arg8[%swap3A_38] : memref<16xi32, #tpu.memory_space<smem>>
    %slice3A_40 = vector.extract_strided_slice %get3A_2 {offsets = [8], sizes = [1], strides = [1]} : vector<16xi32> to vector<1xi32>
    %squeeze3A_41 = vector.extract %slice3A_40[0] : i32 from vector<1xi32>
    %swap3A_42 = arith.constant 8 : i32
    %swap3A_43 = arith.index_cast %swap3A_42 : i32 to index
    %swap3A_44 = memref.load %arg8[%swap3A_43] : memref<16xi32, #tpu.memory_space<smem>>
    memref.store %squeeze3A_41, %arg8[%swap3A_43] : memref<16xi32, #tpu.memory_space<smem>>
    %slice3A_45 = vector.extract_strided_slice %get3A_2 {offsets = [9], sizes = [1], strides = [1]} : vector<16xi32> to vector<1xi32>
    %squeeze3A_46 = vector.extract %slice3A_45[0] : i32 from vector<1xi32>
    %swap3A_47 = arith.constant 9 : i32
    %swap3A_48 = arith.index_cast %swap3A_47 : i32 to index
    %swap3A_49 = memref.load %arg8[%swap3A_48] : memref<16xi32, #tpu.memory_space<smem>>
    memref.store %squeeze3A_46, %arg8[%swap3A_48] : memref<16xi32, #tpu.memory_space<smem>>
    %slice3A_50 = vector.extract_strided_slice %get3A_2 {offsets = [10], sizes = [1], strides = [1]} : vector<16xi32> to vector<1xi32>
    %squeeze3A_51 = vector.extract %slice3A_50[0] : i32 from vector<1xi32>
    %swap3A_52 = arith.constant 10 : i32
    %swap3A_53 = arith.index_cast %swap3A_52 : i32 to index
    %swap3A_54 = memref.load %arg8[%swap3A_53] : memref<16xi32, #tpu.memory_space<smem>>
    memref.store %squeeze3A_51, %arg8[%swap3A_53] : memref<16xi32, #tpu.memory_space<smem>>
    %slice3A_55 = vector.extract_strided_slice %get3A_2 {offsets = [11], sizes = [1], strides = [1]} : vector<16xi32> to vector<1xi32>
    %squeeze3A_56 = vector.extract %slice3A_55[0] : i32 from vector<1xi32>
    %swap3A_57 = arith.constant 11 : i32
    %swap3A_58 = arith.index_cast %swap3A_57 : i32 to index
    %swap3A_59 = memref.load %arg8[%swap3A_58] : memref<16xi32, #tpu.memory_space<smem>>
    memref.store %squeeze3A_56, %arg8[%swap3A_58] : memref<16xi32, #tpu.memory_space<smem>>
    %slice3A_60 = vector.extract_strided_slice %get3A_2 {offsets = [12], sizes = [1], strides = [1]} : vector<16xi32> to vector<1xi32>
    %squeeze3A_61 = vector.extract %slice3A_60[0] : i32 from vector<1xi32>
    %swap3A_62 = arith.constant 12 : i32
    %swap3A_63 = arith.index_cast %swap3A_62 : i32 to index
    %swap3A_64 = memref.load %arg8[%swap3A_63] : memref<16xi32, #tpu.memory_space<smem>>
    memref.store %squeeze3A_61, %arg8[%swap3A_63] : memref<16xi32, #tpu.memory_space<smem>>
    %slice3A_65 = vector.extract_strided_slice %get3A_2 {offsets = [13], sizes = [1], strides = [1]} : vector<16xi32> to vector<1xi32>
    %squeeze3A_66 = vector.extract %slice3A_65[0] : i32 from vector<1xi32>
    %swap3A_67 = arith.constant 13 : i32
    %swap3A_68 = arith.index_cast %swap3A_67 : i32 to index
    %swap3A_69 = memref.load %arg8[%swap3A_68] : memref<16xi32, #tpu.memory_space<smem>>
    memref.store %squeeze3A_66, %arg8[%swap3A_68] : memref<16xi32, #tpu.memory_space<smem>>
    %slice3A_70 = vector.extract_strided_slice %get3A_2 {offsets = [14], sizes = [1], strides = [1]} : vector<16xi32> to vector<1xi32>
    %squeeze3A_71 = vector.extract %slice3A_70[0] : i32 from vector<1xi32>
    %swap3A_72 = arith.constant 14 : i32
    %swap3A_73 = arith.index_cast %swap3A_72 : i32 to index
    %swap3A_74 = memref.load %arg8[%swap3A_73] : memref<16xi32, #tpu.memory_space<smem>>
    memref.store %squeeze3A_71, %arg8[%swap3A_73] : memref<16xi32, #tpu.memory_space<smem>>
    %slice3A_75 = vector.extract_strided_slice %get3A_2 {offsets = [15], sizes = [1], strides = [1]} : vector<16xi32> to vector<1xi32>
    %squeeze3A_76 = vector.extract %slice3A_75[0] : i32 from vector<1xi32>
    %swap3A_77 = arith.constant 15 : i32
    %swap3A_78 = arith.index_cast %swap3A_77 : i32 to index
    %swap3A_79 = memref.load %arg8[%swap3A_78] : memref<16xi32, #tpu.memory_space<smem>>
    memref.store %squeeze3A_76, %arg8[%swap3A_78] : memref<16xi32, #tpu.memory_space<smem>>
    %min3A = arith.constant 14 : i32
    %min3A_80 = arith.minsi %add3A, %min3A : i32
    %add3A_81 = arith.constant 1 : i32
    %add3A_82 = arith.addi %min3A_80, %add3A_81 : i32
    %get3A_83 = arith.index_cast %add3A_82 : i32 to index
    %get3A_84 = memref.load %arg8[%get3A_83] : memref<16xi32, #tpu.memory_space<smem>>
    %rem3A = arith.constant 128 : i32
    %rem3A_85 = arith.remsi %get3A_84, %rem3A : i32
    %sub3A = arith.subi %get3A_84, %rem3A_85 : i32
    %multiple_of3A = tpu.assume_multiple %sub3A, 128 : i32
    "tpu.region"() ({
      %run_scoped3A = tpu.sem_alloc : memref<!tpu.dma_semaphore, #tpu.memory_space<semaphore_mem>>
      %dma_start3A = arith.constant 0 : i32
      %dma_start3A_185 = tpu.memref_slice %arg2[%multiple_of3A, %dma_start3A] : memref<32768x256xf32, #tpu.memory_space<hbm>> -> memref<128x256xf32, #tpu.memory_space<hbm>>
      %dma_start3A_186 = arith.constant 0 : i32
      %dma_start3A_187 = tpu.memref_slice %arg2[%multiple_of3A, %dma_start3A_186] : memref<32768x256xf32, #tpu.memory_space<hbm>> -> memref<128x256xf32, #tpu.memory_space<hbm>>
      tpu.enqueue_dma source(%dma_start3A_187 : memref<128x256xf32, #tpu.memory_space<hbm>>) target(%arg6 : memref<128x256xf32, #tpu.memory_space<vmem>>) target_semaphore(%run_scoped3A : memref<!tpu.dma_semaphore, #tpu.memory_space<semaphore_mem>>)
      %dma_wait3A = arith.constant 0 : i32
      %dma_wait3A_188 = tpu.memref_slice %arg2[%multiple_of3A, %dma_wait3A] : memref<32768x256xf32, #tpu.memory_space<hbm>> -> memref<128x256xf32, #tpu.memory_space<hbm>>
      %dma_wait3A_189 = arith.constant 0 : i32
      %dma_wait3A_190 = tpu.memref_slice %arg2[%multiple_of3A, %dma_wait3A_189] : memref<32768x256xf32, #tpu.memory_space<hbm>> -> memref<128x256xf32, #tpu.memory_space<hbm>>
      tpu.wait_dma2 semaphore(%run_scoped3A : memref<!tpu.dma_semaphore, #tpu.memory_space<semaphore_mem>>) src(%dma_wait3A_190 : memref<128x256xf32, #tpu.memory_space<hbm>>) dst(%arg6 : memref<128x256xf32, #tpu.memory_space<vmem>>)
      tpu.yield
    }) : () -> ()
    %broadcast_in_dim3A = arith.constant 0.000000e+00 : f32
    %broadcast_in_dim3A_86 = vector.broadcast %broadcast_in_dim3A : f32 to vector<16xf32>
    %parallel_loop3A = arith.constant 0 : i32
    %parallel_loop3A_87 = arith.constant 1 : i32
    %parallel_loop3A_88:16 = scf.for %parallel_loop3A_185 = %parallel_loop3A to %rem3A_85 step %parallel_loop3A_87 iter_args(%parallel_loop3A_186 = %broadcast_in_dim3A_86, %parallel_loop3A_187 = %broadcast_in_dim3A_86, %parallel_loop3A_188 = %broadcast_in_dim3A_86, %parallel_loop3A_189 = %broadcast_in_dim3A_86, %parallel_loop3A_190 = %broadcast_in_dim3A_86, %parallel_loop3A_191 = %broadcast_in_dim3A_86, %parallel_loop3A_192 = %broadcast_in_dim3A_86, %parallel_loop3A_193 = %broadcast_in_dim3A_86, %parallel_loop3A_194 = %broadcast_in_dim3A_86, %parallel_loop3A_195 = %broadcast_in_dim3A_86, %parallel_loop3A_196 = %broadcast_in_dim3A_86, %parallel_loop3A_197 = %broadcast_in_dim3A_86, %parallel_loop3A_198 = %broadcast_in_dim3A_86, %parallel_loop3A_199 = %broadcast_in_dim3A_86, %parallel_loop3A_200 = %broadcast_in_dim3A_86, %parallel_loop3A_201 = %broadcast_in_dim3A_86) -> (vector<16xf32>, vector<16xf32>, vector<16xf32>, vector<16xf32>, vector<16xf32>, vector<16xf32>, vector<16xf32>, vector<16xf32>, vector<16xf32>, vector<16xf32>, vector<16xf32>, vector<16xf32>, vector<16xf32>, vector<16xf32>, vector<16xf32>, vector<16xf32>)  : i32 {
      %parallel_loop3A_202 = arith.index_cast %parallel_loop3A_185 : i32 to index
      %parallel_loop3A_203 = arith.constant 0 : index
      %parallel_loop3A_204 = tpu.vector_load %arg6[%parallel_loop3A_202, %parallel_loop3A_203] {strides = array<i32>} : memref<128x256xf32, #tpu.memory_space<vmem>>, vector<1x16xf32>,
      %parallel_loop3A_205 = vector.shape_cast %parallel_loop3A_204 : vector<1x16xf32> to vector<16xf32>
      %parallel_loop3A_206 = arith.addf %parallel_loop3A_186, %parallel_loop3A_205 : vector<16xf32>
      %parallel_loop3A_207 = arith.index_cast %parallel_loop3A_185 : i32 to index
      %parallel_loop3A_208 = arith.constant 16 : index
      %parallel_loop3A_209 = tpu.vector_load %arg6[%parallel_loop3A_207, %parallel_loop3A_208] {strides = array<i32>} : memref<128x256xf32, #tpu.memory_space<vmem>>, vector<1x16xf32>,
      %parallel_loop3A_210 = vector.shape_cast %parallel_loop3A_209 : vector<1x16xf32> to vector<16xf32>
      %parallel_loop3A_211 = arith.addf %parallel_loop3A_187, %parallel_loop3A_210 : vector<16xf32>
      %parallel_loop3A_212 = arith.index_cast %parallel_loop3A_185 : i32 to index
      %parallel_loop3A_213 = arith.constant 32 : index
      %parallel_loop3A_214 = tpu.vector_load %arg6[%parallel_loop3A_212, %parallel_loop3A_213] {strides = array<i32>} : memref<128x256xf32, #tpu.memory_space<vmem>>, vector<1x16xf32>,
      %parallel_loop3A_215 = vector.shape_cast %parallel_loop3A_214 : vector<1x16xf32> to vector<16xf32>
      %parallel_loop3A_216 = arith.addf %parallel_loop3A_188, %parallel_loop3A_215 : vector<16xf32>
      %parallel_loop3A_217 = arith.index_cast %parallel_loop3A_185 : i32 to index
      %parallel_loop3A_218 = arith.constant 48 : index
      %parallel_loop3A_219 = tpu.vector_load %arg6[%parallel_loop3A_217, %parallel_loop3A_218] {strides = array<i32>} : memref<128x256xf32, #tpu.memory_space<vmem>>, vector<1x16xf32>,
      %parallel_loop3A_220 = vector.shape_cast %parallel_loop3A_219 : vector<1x16xf32> to vector<16xf32>
      %parallel_loop3A_221 = arith.addf %parallel_loop3A_189, %parallel_loop3A_220 : vector<16xf32>
      %parallel_loop3A_222 = arith.index_cast %parallel_loop3A_185 : i32 to index
      %parallel_loop3A_223 = arith.constant 64 : index
      %parallel_loop3A_224 = tpu.vector_load %arg6[%parallel_loop3A_222, %parallel_loop3A_223] {strides = array<i32>} : memref<128x256xf32, #tpu.memory_space<vmem>>, vector<1x16xf32>,
      %parallel_loop3A_225 = vector.shape_cast %parallel_loop3A_224 : vector<1x16xf32> to vector<16xf32>
      %parallel_loop3A_226 = arith.addf %parallel_loop3A_190, %parallel_loop3A_225 : vector<16xf32>
      %parallel_loop3A_227 = arith.index_cast %parallel_loop3A_185 : i32 to index
      %parallel_loop3A_228 = arith.constant 80 : index
      %parallel_loop3A_229 = tpu.vector_load %arg6[%parallel_loop3A_227, %parallel_loop3A_228] {strides = array<i32>} : memref<128x256xf32, #tpu.memory_space<vmem>>, vector<1x16xf32>,
      %parallel_loop3A_230 = vector.shape_cast %parallel_loop3A_229 : vector<1x16xf32> to vector<16xf32>
      %parallel_loop3A_231 = arith.addf %parallel_loop3A_191, %parallel_loop3A_230 : vector<16xf32>
      %parallel_loop3A_232 = arith.index_cast %parallel_loop3A_185 : i32 to index
      %parallel_loop3A_233 = arith.constant 96 : index
      %parallel_loop3A_234 = tpu.vector_load %arg6[%parallel_loop3A_232, %parallel_loop3A_233] {strides = array<i32>} : memref<128x256xf32, #tpu.memory_space<vmem>>, vector<1x16xf32>,
      %parallel_loop3A_235 = vector.shape_cast %parallel_loop3A_234 : vector<1x16xf32> to vector<16xf32>
      %parallel_loop3A_236 = arith.addf %parallel_loop3A_192, %parallel_loop3A_235 : vector<16xf32>
      %parallel_loop3A_237 = arith.index_cast %parallel_loop3A_185 : i32 to index
      %parallel_loop3A_238 = arith.constant 112 : index
      %parallel_loop3A_239 = tpu.vector_load %arg6[%parallel_loop3A_237, %parallel_loop3A_238] {strides = array<i32>} : memref<128x256xf32, #tpu.memory_space<vmem>>, vector<1x16xf32>,
      %parallel_loop3A_240 = vector.shape_cast %parallel_loop3A_239 : vector<1x16xf32> to vector<16xf32>
      %parallel_loop3A_241 = arith.addf %parallel_loop3A_193, %parallel_loop3A_240 : vector<16xf32>
      %parallel_loop3A_242 = arith.index_cast %parallel_loop3A_185 : i32 to index
      %parallel_loop3A_243 = arith.constant 128 : index
      %parallel_loop3A_244 = tpu.vector_load %arg6[%parallel_loop3A_242, %parallel_loop3A_243] {strides = array<i32>} : memref<128x256xf32, #tpu.memory_space<vmem>>, vector<1x16xf32>,
      %parallel_loop3A_245 = vector.shape_cast %parallel_loop3A_244 : vector<1x16xf32> to vector<16xf32>
      %parallel_loop3A_246 = arith.addf %parallel_loop3A_194, %parallel_loop3A_245 : vector<16xf32>
      %parallel_loop3A_247 = arith.index_cast %parallel_loop3A_185 : i32 to index
      %parallel_loop3A_248 = arith.constant 144 : index
      %parallel_loop3A_249 = tpu.vector_load %arg6[%parallel_loop3A_247, %parallel_loop3A_248] {strides = array<i32>} : memref<128x256xf32, #tpu.memory_space<vmem>>, vector<1x16xf32>,
      %parallel_loop3A_250 = vector.shape_cast %parallel_loop3A_249 : vector<1x16xf32> to vector<16xf32>
      %parallel_loop3A_251 = arith.addf %parallel_loop3A_195, %parallel_loop3A_250 : vector<16xf32>
      %parallel_loop3A_252 = arith.index_cast %parallel_loop3A_185 : i32 to index
      %parallel_loop3A_253 = arith.constant 160 : index
      %parallel_loop3A_254 = tpu.vector_load %arg6[%parallel_loop3A_252, %parallel_loop3A_253] {strides = array<i32>} : memref<128x256xf32, #tpu.memory_space<vmem>>, vector<1x16xf32>,
      %parallel_loop3A_255 = vector.shape_cast %parallel_loop3A_254 : vector<1x16xf32> to vector<16xf32>
      %parallel_loop3A_256 = arith.addf %parallel_loop3A_196, %parallel_loop3A_255 : vector<16xf32>
      %parallel_loop3A_257 = arith.index_cast %parallel_loop3A_185 : i32 to index
      %parallel_loop3A_258 = arith.constant 176 : index
      %parallel_loop3A_259 = tpu.vector_load %arg6[%parallel_loop3A_257, %parallel_loop3A_258] {strides = array<i32>} : memref<128x256xf32, #tpu.memory_space<vmem>>, vector<1x16xf32>,
      %parallel_loop3A_260 = vector.shape_cast %parallel_loop3A_259 : vector<1x16xf32> to vector<16xf32>
      %parallel_loop3A_261 = arith.addf %parallel_loop3A_197, %parallel_loop3A_260 : vector<16xf32>
      %parallel_loop3A_262 = arith.index_cast %parallel_loop3A_185 : i32 to index
      %parallel_loop3A_263 = arith.constant 192 : index
      %parallel_loop3A_264 = tpu.vector_load %arg6[%parallel_loop3A_262, %parallel_loop3A_263] {strides = array<i32>} : memref<128x256xf32, #tpu.memory_space<vmem>>, vector<1x16xf32>,
      %parallel_loop3A_265 = vector.shape_cast %parallel_loop3A_264 : vector<1x16xf32> to vector<16xf32>
      %parallel_loop3A_266 = arith.addf %parallel_loop3A_198, %parallel_loop3A_265 : vector<16xf32>
      %parallel_loop3A_267 = arith.index_cast %parallel_loop3A_185 : i32 to index
      %parallel_loop3A_268 = arith.constant 208 : index
      %parallel_loop3A_269 = tpu.vector_load %arg6[%parallel_loop3A_267, %parallel_loop3A_268] {strides = array<i32>} : memref<128x256xf32, #tpu.memory_space<vmem>>, vector<1x16xf32>,
      %parallel_loop3A_270 = vector.shape_cast %parallel_loop3A_269 : vector<1x16xf32> to vector<16xf32>
      %parallel_loop3A_271 = arith.addf %parallel_loop3A_199, %parallel_loop3A_270 : vector<16xf32>
      %parallel_loop3A_272 = arith.index_cast %parallel_loop3A_185 : i32 to index
      %parallel_loop3A_273 = arith.constant 224 : index
      %parallel_loop3A_274 = tpu.vector_load %arg6[%parallel_loop3A_272, %parallel_loop3A_273] {strides = array<i32>} : memref<128x256xf32, #tpu.memory_space<vmem>>, vector<1x16xf32>,
      %parallel_loop3A_275 = vector.shape_cast %parallel_loop3A_274 : vector<1x16xf32> to vector<16xf32>
      %parallel_loop3A_276 = arith.addf %parallel_loop3A_200, %parallel_loop3A_275 : vector<16xf32>
      %parallel_loop3A_277 = arith.index_cast %parallel_loop3A_185 : i32 to index
      %parallel_loop3A_278 = arith.constant 240 : index
      %parallel_loop3A_279 = tpu.vector_load %arg6[%parallel_loop3A_277, %parallel_loop3A_278] {strides = array<i32>} : memref<128x256xf32, #tpu.memory_space<vmem>>, vector<1x16xf32>,
      %parallel_loop3A_280 = vector.shape_cast %parallel_loop3A_279 : vector<1x16xf32> to vector<16xf32>
      %parallel_loop3A_281 = arith.addf %parallel_loop3A_201, %parallel_loop3A_280 : vector<16xf32>
      scf.yield %parallel_loop3A_206, %parallel_loop3A_211, %parallel_loop3A_216, %parallel_loop3A_221, %parallel_loop3A_226, %parallel_loop3A_231, %parallel_loop3A_236, %parallel_loop3A_241, %parallel_loop3A_246, %parallel_loop3A_251, %parallel_loop3A_256, %parallel_loop3A_261, %parallel_loop3A_266, %parallel_loop3A_271, %parallel_loop3A_276, %parallel_loop3A_281 : vector<16xf32>, vector<16xf32>, vector<16xf32>, vector<16xf32>, vector<16xf32>, vector<16xf32>, vector<16xf32>, vector<16xf32>, vector<16xf32>, vector<16xf32>, vector<16xf32>, vector<16xf32>, vector<16xf32>, vector<16xf32>, vector<16xf32>, vector<16xf32>
    } {sc.loop_unroll_factor = 1 : i64, sc.parallel_access}
    %swap3A_89 = arith.constant 0 : i32
    %swap3A_90 = arith.index_cast %swap3A_89 : i32 to index
    %swap3A_91 = arith.constant 0 : index
    %swap3A_92 = tpu.vector_load %arg7[%swap3A_90, %swap3A_91] {strides = array<i32>} : memref<1x256xf32, #tpu.memory_space<vmem>>, vector<1x16xf32>,
    %swap3A_93 = vector.shape_cast %swap3A_92 : vector<1x16xf32> to vector<16xf32>
    %swap3A_94 = vector.shape_cast %parallel_loop3A_88#0 : vector<16xf32> to vector<1x16xf32>
    tpu.vector_store %arg7[%swap3A_90, %swap3A_91], %swap3A_94 {strides = array<i32>} : memref<1x256xf32, #tpu.memory_space<vmem>>, vector<1x16xf32>,
    %swap3A_95 = arith.constant 0 : i32
    %swap3A_96 = arith.index_cast %swap3A_95 : i32 to index
    %swap3A_97 = arith.constant 16 : index
    %swap3A_98 = tpu.vector_load %arg7[%swap3A_96, %swap3A_97] {strides = array<i32>} : memref<1x256xf32, #tpu.memory_space<vmem>>, vector<1x16xf32>,
    %swap3A_99 = vector.shape_cast %swap3A_98 : vector<1x16xf32> to vector<16xf32>
    %swap3A_100 = vector.shape_cast %parallel_loop3A_88#1 : vector<16xf32> to vector<1x16xf32>
    tpu.vector_store %arg7[%swap3A_96, %swap3A_97], %swap3A_100 {strides = array<i32>} : memref<1x256xf32, #tpu.memory_space<vmem>>, vector<1x16xf32>,
    %swap3A_101 = arith.constant 0 : i32
    %swap3A_102 = arith.index_cast %swap3A_101 : i32 to index
    %swap3A_103 = arith.constant 32 : index
    %swap3A_104 = tpu.vector_load %arg7[%swap3A_102, %swap3A_103] {strides = array<i32>} : memref<1x256xf32, #tpu.memory_space<vmem>>, vector<1x16xf32>,
    %swap3A_105 = vector.shape_cast %swap3A_104 : vector<1x16xf32> to vector<16xf32>
    %swap3A_106 = vector.shape_cast %parallel_loop3A_88#2 : vector<16xf32> to vector<1x16xf32>
    tpu.vector_store %arg7[%swap3A_102, %swap3A_103], %swap3A_106 {strides = array<i32>} : memref<1x256xf32, #tpu.memory_space<vmem>>, vector<1x16xf32>,
    %swap3A_107 = arith.constant 0 : i32
    %swap3A_108 = arith.index_cast %swap3A_107 : i32 to index
    %swap3A_109 = arith.constant 48 : index
    %swap3A_110 = tpu.vector_load %arg7[%swap3A_108, %swap3A_109] {strides = array<i32>} : memref<1x256xf32, #tpu.memory_space<vmem>>, vector<1x16xf32>,
    %swap3A_111 = vector.shape_cast %swap3A_110 : vector<1x16xf32> to vector<16xf32>
    %swap3A_112 = vector.shape_cast %parallel_loop3A_88#3 : vector<16xf32> to vector<1x16xf32>
    tpu.vector_store %arg7[%swap3A_108, %swap3A_109], %swap3A_112 {strides = array<i32>} : memref<1x256xf32, #tpu.memory_space<vmem>>, vector<1x16xf32>,
    %swap3A_113 = arith.constant 0 : i32
    %swap3A_114 = arith.index_cast %swap3A_113 : i32 to index
    %swap3A_115 = arith.constant 64 : index
    %swap3A_116 = tpu.vector_load %arg7[%swap3A_114, %swap3A_115] {strides = array<i32>} : memref<1x256xf32, #tpu.memory_space<vmem>>, vector<1x16xf32>,
    %swap3A_117 = vector.shape_cast %swap3A_116 : vector<1x16xf32> to vector<16xf32>
    %swap3A_118 = vector.shape_cast %parallel_loop3A_88#4 : vector<16xf32> to vector<1x16xf32>
    tpu.vector_store %arg7[%swap3A_114, %swap3A_115], %swap3A_118 {strides = array<i32>} : memref<1x256xf32, #tpu.memory_space<vmem>>, vector<1x16xf32>,
    %swap3A_119 = arith.constant 0 : i32
    %swap3A_120 = arith.index_cast %swap3A_119 : i32 to index
    %swap3A_121 = arith.constant 80 : index
    %swap3A_122 = tpu.vector_load %arg7[%swap3A_120, %swap3A_121] {strides = array<i32>} : memref<1x256xf32, #tpu.memory_space<vmem>>, vector<1x16xf32>,
    %swap3A_123 = vector.shape_cast %swap3A_122 : vector<1x16xf32> to vector<16xf32>
    %swap3A_124 = vector.shape_cast %parallel_loop3A_88#5 : vector<16xf32> to vector<1x16xf32>
    tpu.vector_store %arg7[%swap3A_120, %swap3A_121], %swap3A_124 {strides = array<i32>} : memref<1x256xf32, #tpu.memory_space<vmem>>, vector<1x16xf32>,
    %swap3A_125 = arith.constant 0 : i32
    %swap3A_126 = arith.index_cast %swap3A_125 : i32 to index
    %swap3A_127 = arith.constant 96 : index
    %swap3A_128 = tpu.vector_load %arg7[%swap3A_126, %swap3A_127] {strides = array<i32>} : memref<1x256xf32, #tpu.memory_space<vmem>>, vector<1x16xf32>,
    %swap3A_129 = vector.shape_cast %swap3A_128 : vector<1x16xf32> to vector<16xf32>
    %swap3A_130 = vector.shape_cast %parallel_loop3A_88#6 : vector<16xf32> to vector<1x16xf32>
    tpu.vector_store %arg7[%swap3A_126, %swap3A_127], %swap3A_130 {strides = array<i32>} : memref<1x256xf32, #tpu.memory_space<vmem>>, vector<1x16xf32>,
    %swap3A_131 = arith.constant 0 : i32
    %swap3A_132 = arith.index_cast %swap3A_131 : i32 to index
    %swap3A_133 = arith.constant 112 : index
    %swap3A_134 = tpu.vector_load %arg7[%swap3A_132, %swap3A_133] {strides = array<i32>} : memref<1x256xf32, #tpu.memory_space<vmem>>, vector<1x16xf32>,
    %swap3A_135 = vector.shape_cast %swap3A_134 : vector<1x16xf32> to vector<16xf32>
    %swap3A_136 = vector.shape_cast %parallel_loop3A_88#7 : vector<16xf32> to vector<1x16xf32>
    tpu.vector_store %arg7[%swap3A_132, %swap3A_133], %swap3A_136 {strides = array<i32>} : memref<1x256xf32, #tpu.memory_space<vmem>>, vector<1x16xf32>,
    %swap3A_137 = arith.constant 0 : i32
    %swap3A_138 = arith.index_cast %swap3A_137 : i32 to index
    %swap3A_139 = arith.constant 128 : index
    %swap3A_140 = tpu.vector_load %arg7[%swap3A_138, %swap3A_139] {strides = array<i32>} : memref<1x256xf32, #tpu.memory_space<vmem>>, vector<1x16xf32>,
    %swap3A_141 = vector.shape_cast %swap3A_140 : vector<1x16xf32> to vector<16xf32>
    %swap3A_142 = vector.shape_cast %parallel_loop3A_88#8 : vector<16xf32> to vector<1x16xf32>
    tpu.vector_store %arg7[%swap3A_138, %swap3A_139], %swap3A_142 {strides = array<i32>} : memref<1x256xf32, #tpu.memory_space<vmem>>, vector<1x16xf32>,
    %swap3A_143 = arith.constant 0 : i32
    %swap3A_144 = arith.index_cast %swap3A_143 : i32 to index
    %swap3A_145 = arith.constant 144 : index
    %swap3A_146 = tpu.vector_load %arg7[%swap3A_144, %swap3A_145] {strides = array<i32>} : memref<1x256xf32, #tpu.memory_space<vmem>>, vector<1x16xf32>,
    %swap3A_147 = vector.shape_cast %swap3A_146 : vector<1x16xf32> to vector<16xf32>
    %swap3A_148 = vector.shape_cast %parallel_loop3A_88#9 : vector<16xf32> to vector<1x16xf32>
    tpu.vector_store %arg7[%swap3A_144, %swap3A_145], %swap3A_148 {strides = array<i32>} : memref<1x256xf32, #tpu.memory_space<vmem>>, vector<1x16xf32>,
    %swap3A_149 = arith.constant 0 : i32
    %swap3A_150 = arith.index_cast %swap3A_149 : i32 to index
    %swap3A_151 = arith.constant 160 : index
    %swap3A_152 = tpu.vector_load %arg7[%swap3A_150, %swap3A_151] {strides = array<i32>} : memref<1x256xf32, #tpu.memory_space<vmem>>, vector<1x16xf32>,
    %swap3A_153 = vector.shape_cast %swap3A_152 : vector<1x16xf32> to vector<16xf32>
    %swap3A_154 = vector.shape_cast %parallel_loop3A_88#10 : vector<16xf32> to vector<1x16xf32>
    tpu.vector_store %arg7[%swap3A_150, %swap3A_151], %swap3A_154 {strides = array<i32>} : memref<1x256xf32, #tpu.memory_space<vmem>>, vector<1x16xf32>,
    %swap3A_155 = arith.constant 0 : i32
    %swap3A_156 = arith.index_cast %swap3A_155 : i32 to index
    %swap3A_157 = arith.constant 176 : index
    %swap3A_158 = tpu.vector_load %arg7[%swap3A_156, %swap3A_157] {strides = array<i32>} : memref<1x256xf32, #tpu.memory_space<vmem>>, vector<1x16xf32>,
    %swap3A_159 = vector.shape_cast %swap3A_158 : vector<1x16xf32> to vector<16xf32>
    %swap3A_160 = vector.shape_cast %parallel_loop3A_88#11 : vector<16xf32> to vector<1x16xf32>
    tpu.vector_store %arg7[%swap3A_156, %swap3A_157], %swap3A_160 {strides = array<i32>} : memref<1x256xf32, #tpu.memory_space<vmem>>, vector<1x16xf32>,
    %swap3A_161 = arith.constant 0 : i32
    %swap3A_162 = arith.index_cast %swap3A_161 : i32 to index
    %swap3A_163 = arith.constant 192 : index
    %swap3A_164 = tpu.vector_load %arg7[%swap3A_162, %swap3A_163] {strides = array<i32>} : memref<1x256xf32, #tpu.memory_space<vmem>>, vector<1x16xf32>,
    %swap3A_165 = vector.shape_cast %swap3A_164 : vector<1x16xf32> to vector<16xf32>
    %swap3A_166 = vector.shape_cast %parallel_loop3A_88#12 : vector<16xf32> to vector<1x16xf32>
    tpu.vector_store %arg7[%swap3A_162, %swap3A_163], %swap3A_166 {strides = array<i32>} : memref<1x256xf32, #tpu.memory_space<vmem>>, vector<1x16xf32>,
    %swap3A_167 = arith.constant 0 : i32
    %swap3A_168 = arith.index_cast %swap3A_167 : i32 to index
    %swap3A_169 = arith.constant 208 : index
    %swap3A_170 = tpu.vector_load %arg7[%swap3A_168, %swap3A_169] {strides = array<i32>} : memref<1x256xf32, #tpu.memory_space<vmem>>, vector<1x16xf32>,
    %swap3A_171 = vector.shape_cast %swap3A_170 : vector<1x16xf32> to vector<16xf32>
    %swap3A_172 = vector.shape_cast %parallel_loop3A_88#13 : vector<16xf32> to vector<1x16xf32>
    tpu.vector_store %arg7[%swap3A_168, %swap3A_169], %swap3A_172 {strides = array<i32>} : memref<1x256xf32, #tpu.memory_space<vmem>>, vector<1x16xf32>,
    %swap3A_173 = arith.constant 0 : i32
    %swap3A_174 = arith.index_cast %swap3A_173 : i32 to index
    %swap3A_175 = arith.constant 224 : index
    %swap3A_176 = tpu.vector_load %arg7[%swap3A_174, %swap3A_175] {strides = array<i32>} : memref<1x256xf32, #tpu.memory_space<vmem>>, vector<1x16xf32>,
    %swap3A_177 = vector.shape_cast %swap3A_176 : vector<1x16xf32> to vector<16xf32>
    %swap3A_178 = vector.shape_cast %parallel_loop3A_88#14 : vector<16xf32> to vector<1x16xf32>
    tpu.vector_store %arg7[%swap3A_174, %swap3A_175], %swap3A_178 {strides = array<i32>} : memref<1x256xf32, #tpu.memory_space<vmem>>, vector<1x16xf32>,
    %swap3A_179 = arith.constant 0 : i32
    %swap3A_180 = arith.index_cast %swap3A_179 : i32 to index
    %swap3A_181 = arith.constant 240 : index
    %swap3A_182 = tpu.vector_load %arg7[%swap3A_180, %swap3A_181] {strides = array<i32>} : memref<1x256xf32, #tpu.memory_space<vmem>>, vector<1x16xf32>,
    %swap3A_183 = vector.shape_cast %swap3A_182 : vector<1x16xf32> to vector<16xf32>
    %swap3A_184 = vector.shape_cast %parallel_loop3A_88#15 : vector<16xf32> to vector<1x16xf32>
    tpu.vector_store %arg7[%swap3A_180, %swap3A_181], %swap3A_184 {strides = array<i32>} : memref<1x256xf32, #tpu.memory_space<vmem>>, vector<1x16xf32>,
    "tpu.region"() ({
      %run_scoped3A = tpu.sem_alloc : memref<!tpu.dma_semaphore, #tpu.memory_space<semaphore_mem>>
      %dma_start3A = arith.constant 0 : i32
      %dma_start3A_185 = tpu.memref_slice %arg4[%add3A, %dma_start3A] : memref<32x256xf32, #tpu.memory_space<hbm>> -> memref<1x256xf32, #tpu.memory_space<hbm>>
      %dma_start3A_186 = arith.constant 0 : i32
      %dma_start3A_187 = tpu.memref_slice %arg4[%add3A, %dma_start3A_186] : memref<32x256xf32, #tpu.memory_space<hbm>> -> memref<1x256xf32, #tpu.memory_space<hbm>>
      tpu.enqueue_dma source(%arg7 : memref<1x256xf32, #tpu.memory_space<vmem>>) target(%dma_start3A_187 : memref<1x256xf32, #tpu.memory_space<hbm>>) target_semaphore(%run_scoped3A : memref<!tpu.dma_semaphore, #tpu.memory_space<semaphore_mem>>)
      %dma_wait3A = arith.constant 0 : i32
      %dma_wait3A_188 = tpu.memref_slice %arg4[%add3A, %dma_wait3A] : memref<32x256xf32, #tpu.memory_space<hbm>> -> memref<1x256xf32, #tpu.memory_space<hbm>>
      %dma_wait3A_189 = arith.constant 0 : i32
      %dma_wait3A_190 = tpu.memref_slice %arg4[%add3A, %dma_wait3A_189] : memref<32x256xf32, #tpu.memory_space<hbm>> -> memref<1x256xf32, #tpu.memory_space<hbm>>
      tpu.wait_dma2 semaphore(%run_scoped3A : memref<!tpu.dma_semaphore, #tpu.memory_space<semaphore_mem>>) src(%arg7 : memref<1x256xf32, #tpu.memory_space<vmem>>) dst(%dma_wait3A_190 : memref<1x256xf32, #tpu.memory_space<hbm>>)
      tpu.yield
    }) : () -> ()
    return
  }
}

module attributes {stable_mosaic.version = 14 : i64} {
  func.func @_chunksum_body(%arg0: i32, %arg1: memref<4096x256xf32, #tpu.memory_space<vmem>>, %arg2: memref<32x256xf32, #tpu.memory_space<vmem>>) attributes {dimension_semantics = [#tpu.dimension_semantics<arbitrary>], iteration_bounds = array<i64: 8>, scalar_prefetch = 0 : i64, scratch_operands = 0 : i64, tpu.core_type = #tpu.core_type<tc>, window_params = [{transform_indices = @transform_0, window_bounds = array<i64: 4096, 256>}, {transform_indices = @transform_1, window_bounds = array<i64: 32, 256>}]} {
    %iota3A = tpu.iota {dimensions = array<i32: 1>} : vector<32x4096xi32>
    %iota3A_0 = tpu.iota {dimensions = array<i32: 0>} : vector<32x4096xi32>
    %jit3A = arith.constant 128 : i32
    %div3A = vector.broadcast %jit3A : i32 to vector<32x4096xi32>
    %div3A_1 = arith.divsi %iota3A, %div3A : vector<32x4096xi32>
    %sign3A = arith.constant 0 : i32
    %sign3A_2 = vector.broadcast %sign3A : i32 to vector<32x4096xi32>
    %sign3A_3 = arith.cmpi sgt, %iota3A, %sign3A_2 : vector<32x4096xi32>
    %sign3A_4 = arith.extui %sign3A_3 : vector<32x4096xi1> to vector<32x4096xi32>
    %sign3A_5 = arith.constant 0 : i32
    %sign3A_6 = vector.broadcast %sign3A_5 : i32 to vector<32x4096xi32>
    %sign3A_7 = arith.cmpi slt, %iota3A, %sign3A_6 : vector<32x4096xi32>
    %sign3A_8 = arith.extui %sign3A_7 : vector<32x4096xi1> to vector<32x4096xi32>
    %sign3A_9 = arith.subi %sign3A_4, %sign3A_8 : vector<32x4096xi32>
    %sign3A_10 = arith.constant 0 : i32
    %sign3A_11 = arith.cmpi sgt, %jit3A, %sign3A_10 : i32
    %sign3A_12 = arith.extui %sign3A_11 : i1 to i32
    %sign3A_13 = arith.constant 0 : i32
    %sign3A_14 = arith.cmpi slt, %jit3A, %sign3A_13 : i32
    %sign3A_15 = arith.extui %sign3A_14 : i1 to i32
    %sign3A_16 = arith.subi %sign3A_12, %sign3A_15 : i32
    %ne3A = vector.broadcast %sign3A_16 : i32 to vector<32x4096xi32>
    %ne3A_17 = arith.cmpi ne, %sign3A_9, %ne3A : vector<32x4096xi32>
    %rem3A = vector.broadcast %jit3A : i32 to vector<32x4096xi32>
    %rem3A_18 = arith.remsi %iota3A, %rem3A : vector<32x4096xi32>
    %ne3A_19 = arith.constant 0 : i32
    %ne3A_20 = vector.broadcast %ne3A_19 : i32 to vector<32x4096xi32>
    %ne3A_21 = arith.cmpi ne, %rem3A_18, %ne3A_20 : vector<32x4096xi32>
    %and3A = arith.andi %ne3A_17, %ne3A_21 : vector<32x4096xi1>
    %sub3A = arith.constant 1 : i32
    %sub3A_22 = vector.broadcast %sub3A : i32 to vector<32x4096xi32>
    %sub3A_23 = arith.subi %div3A_1, %sub3A_22 : vector<32x4096xi32>
    %select_n3A = arith.select %and3A, %sub3A_23, %div3A_1 : vector<32x4096xi1>, vector<32x4096xi32>
    %eq3A = arith.cmpi eq, %select_n3A, %iota3A_0 : vector<32x4096xi32>
    %convert_element_type3A = arith.extui %eq3A : vector<32x4096xi1> to vector<32x4096xi32>
    %convert_element_type3A_24 = arith.sitofp %convert_element_type3A : vector<32x4096xi32> to vector<32x4096xf32>
    %get3A = arith.constant 0 : index
    %get3A_25 = arith.constant 0 : index
    %get3A_26 = vector.load %arg1[%get3A, %get3A_25] : memref<4096x256xf32, #tpu.memory_space<vmem>>, vector<4096x256xf32>
    %dot_general3A = arith.constant dense<0.000000e+00> : vector<32x256xf32>
    %dot_general3A_27 = tpu.matmul %convert_element_type3A_24, %get3A_26, %dot_general3A {dimension_numbers = #tpu.dot_dimension_numbers<[1], [0], [0], [1], [0, 0, 1, 1], [], []>, transpose_lhs_hint = false} : vector<32x4096xf32>, vector<4096x256xf32>, vector<32x256xf32> -> vector<32x256xf32>
    %swap3A = arith.constant 0 : index
    %swap3A_28 = arith.constant 0 : index
    %swap3A_29 = vector.load %arg2[%swap3A, %swap3A_28] : memref<32x256xf32, #tpu.memory_space<vmem>>, vector<32x256xf32>
    tpu.vector_store %arg2[%swap3A, %swap3A_28], %dot_general3A_27 {strides = array<i32>} : memref<32x256xf32, #tpu.memory_space<vmem>>, vector<32x256xf32>,
    return
  }
  func.func @transform_0(%arg0: i32) -> (i32, i32) {
    %c0_i32 = arith.constant 0 : i32
    %c0_i32_0 = arith.constant 0 : i32
    return %arg0, %c0_i32 : i32, i32
  }
  func.func @transform_1(%arg0: i32) -> (i32, i32) {
    %c0_i32 = arith.constant 0 : i32
    %c0_i32_0 = arith.constant 0 : i32
    return %arg0, %c0_i32 : i32, i32
  }
}

module attributes {stable_mosaic.version = 14 : i64} {
  func.func @_mlp_body(%arg0: memref<256x256xf32, #tpu.memory_space<vmem>>, %arg1: memref<32x256xf32, #tpu.memory_space<vmem>>, %arg2: memref<16x256xf32, #tpu.memory_space<vmem>>, %arg3: memref<16x32xf32, #tpu.memory_space<vmem>>, %arg4: memref<16x1xf32, #tpu.memory_space<vmem>>, %arg5: memref<256x512xf32, #tpu.memory_space<vmem>>, %arg6: memref<1x512xf32, #tpu.memory_space<vmem>>, %arg7: memref<1x512xf32, #tpu.memory_space<vmem>>, %arg8: memref<1x512xf32, #tpu.memory_space<vmem>>, %arg9: memref<512x256xf32, #tpu.memory_space<vmem>>, %arg10: memref<1x256xf32, #tpu.memory_space<vmem>>, %arg11: memref<1x256xf32, #tpu.memory_space<vmem>>, %arg12: memref<1x256xf32, #tpu.memory_space<vmem>>, %arg13: memref<256x50xf32, #tpu.memory_space<vmem>>, %arg14: memref<1x50xf32, #tpu.memory_space<vmem>>, %arg15: memref<16x50xf32, #tpu.memory_space<vmem>>) attributes {dimension_semantics = [], scalar_prefetch = 0 : i64, scratch_operands = 0 : i64, tpu.core_type = #tpu.core_type<tc>} {
    %get3A = arith.constant 0 : index
    %get3A_0 = arith.constant 0 : index
    %get3A_1 = vector.load %arg2[%get3A, %get3A_0] : memref<16x256xf32, #tpu.memory_space<vmem>>, vector<16x256xf32>
    %get3A_2 = arith.constant 0 : index
    %get3A_3 = arith.constant 0 : index
    %get3A_4 = vector.load %arg0[%get3A_2, %get3A_3] : memref<256x256xf32, #tpu.memory_space<vmem>>, vector<256x256xf32>
    %dot_general3A = arith.constant dense<0.000000e+00> : vector<16x256xf32>
    %dot_general3A_5 = tpu.matmul %get3A_1, %get3A_4, %dot_general3A {dimension_numbers = #tpu.dot_dimension_numbers<[1], [0], [0], [1], [0, 0, 1, 1], [], []>, transpose_lhs_hint = false} : vector<16x256xf32>, vector<256x256xf32>, vector<16x256xf32> -> vector<16x256xf32>
    %get3A_6 = arith.constant 0 : index
    %get3A_7 = arith.constant 0 : index
    %get3A_8 = vector.load %arg3[%get3A_6, %get3A_7] : memref<16x32xf32, #tpu.memory_space<vmem>>, vector<16x32xf32>
    %get3A_9 = arith.constant 0 : index
    %get3A_10 = arith.constant 0 : index
    %get3A_11 = vector.load %arg1[%get3A_9, %get3A_10] : memref<32x256xf32, #tpu.memory_space<vmem>>, vector<32x256xf32>
    %dot_general3A_12 = arith.constant dense<0.000000e+00> : vector<16x256xf32>
    %dot_general3A_13 = tpu.matmul %get3A_8, %get3A_11, %dot_general3A_12 {dimension_numbers = #tpu.dot_dimension_numbers<[1], [0], [0], [1], [0, 0, 1, 1], [], []>, transpose_lhs_hint = false} : vector<16x32xf32>, vector<32x256xf32>, vector<16x256xf32> -> vector<16x256xf32>
    %add3A = arith.addf %dot_general3A_5, %dot_general3A_13 : vector<16x256xf32>
    %get3A_14 = arith.constant 0 : index
    %get3A_15 = arith.constant 0 : index
    %get3A_16 = vector.load %arg4[%get3A_14, %get3A_15] : memref<16x1xf32, #tpu.memory_space<vmem>>, vector<16x1xf32>
    %max3A = arith.constant 1.000000e+00 : f32
    %max3A_17 = vector.broadcast %max3A : f32 to vector<16x1xf32>
    %max3A_18 = arith.maximumf %get3A_16, %max3A_17 : vector<16x1xf32>
    %div3A = vector.broadcast %max3A_18 : vector<16x1xf32> to vector<16x256xf32>
    %div3A_19 = arith.divf %add3A, %div3A : vector<16x256xf32>
    %get3A_20 = arith.constant 0 : index
    %get3A_21 = arith.constant 0 : index
    %get3A_22 = vector.load %arg5[%get3A_20, %get3A_21] : memref<256x512xf32, #tpu.memory_space<vmem>>, vector<256x512xf32>
    %dot_general3A_23 = arith.constant dense<0.000000e+00> : vector<16x512xf32>
    %dot_general3A_24 = tpu.matmul %div3A_19, %get3A_22, %dot_general3A_23 {dimension_numbers = #tpu.dot_dimension_numbers<[1], [0], [0], [1], [0, 0, 1, 1], [], []>, transpose_lhs_hint = false} : vector<16x256xf32>, vector<256x512xf32>, vector<16x512xf32> -> vector<16x512xf32>
    %get3A_25 = arith.constant 0 : index
    %get3A_26 = arith.constant 0 : index
    %get3A_27 = vector.load %arg6[%get3A_25, %get3A_26] : memref<1x512xf32, #tpu.memory_space<vmem>>, vector<1x512xf32>
    %add3A_28 = vector.broadcast %get3A_27 : vector<1x512xf32> to vector<16x512xf32>
    %add3A_29 = arith.addf %dot_general3A_24, %add3A_28 : vector<16x512xf32>
    %get3A_30 = arith.constant 0 : index
    %get3A_31 = arith.constant 0 : index
    %get3A_32 = vector.load %arg7[%get3A_30, %get3A_31] : memref<1x512xf32, #tpu.memory_space<vmem>>, vector<1x512xf32>
    %get3A_33 = arith.constant 0 : index
    %get3A_34 = arith.constant 0 : index
    %get3A_35 = vector.load %arg8[%get3A_33, %get3A_34] : memref<1x512xf32, #tpu.memory_space<vmem>>, vector<1x512xf32>
    %reduce_sum3A = arith.constant dense<0.000000e+00> : vector<16xf32>
    %reduce_sum3A_36 = vector.multi_reduction <add>, %add3A_29, %reduce_sum3A [1] : vector<16x512xf32> to vector<16xf32>
    %broadcast_in_dim3A = vector.shape_cast %reduce_sum3A_36 : vector<16xf32> to vector<16x1xf32>
    %div3A_37 = arith.constant 5.120000e+02 : f32
    %div3A_38 = vector.broadcast %div3A_37 : f32 to vector<16x1xf32>
    %div3A_39 = arith.divf %broadcast_in_dim3A, %div3A_38 : vector<16x1xf32>
    %jit3A = arith.constant 0 : i32
    %reduce_sum3A_40 = arith.constant dense<0.000000e+00> : vector<16xf32>
    %reduce_sum3A_41 = vector.multi_reduction <add>, %add3A_29, %reduce_sum3A_40 [1] : vector<16x512xf32> to vector<16xf32>
    %broadcast_in_dim3A_42 = vector.shape_cast %reduce_sum3A_41 : vector<16xf32> to vector<16x1xf32>
    %div3A_43 = arith.constant 5.120000e+02 : f32
    %div3A_44 = vector.broadcast %div3A_43 : f32 to vector<16x1xf32>
    %div3A_45 = arith.divf %broadcast_in_dim3A_42, %div3A_44 : vector<16x1xf32>
    %sub3A = vector.broadcast %div3A_45 : vector<16x1xf32> to vector<16x512xf32>
    %sub3A_46 = arith.subf %add3A_29, %sub3A : vector<16x512xf32>
    %square3A = arith.mulf %sub3A_46, %sub3A_46 : vector<16x512xf32>
    %convert_element_type3A = arith.sitofp %jit3A : i32 to f32
    %sub3A_47 = arith.constant 5.120000e+02 : f32
    %sub3A_48 = arith.subf %sub3A_47, %convert_element_type3A : f32
    %reduce_sum3A_49 = arith.constant dense<0.000000e+00> : vector<16xf32>
    %reduce_sum3A_50 = vector.multi_reduction <add>, %square3A, %reduce_sum3A_49 [1] : vector<16x512xf32> to vector<16xf32>
    %broadcast_in_dim3A_51 = vector.shape_cast %reduce_sum3A_50 : vector<16xf32> to vector<16x1xf32>
    %div3A_52 = vector.broadcast %sub3A_48 : f32 to vector<16x1xf32>
    %div3A_53 = arith.divf %broadcast_in_dim3A_51, %div3A_52 : vector<16x1xf32>
    %gt3A = arith.constant 0.000000e+00 : f32
    %gt3A_54 = arith.cmpf ogt, %sub3A_48, %gt3A : f32
    %jit3A_55 = arith.constant 0x7FC00000 : f32
    %broadcast_in_dim3A_56 = vector.broadcast %jit3A_55 : f32 to vector<16x1xf32>
    %select_n3A = arith.select %gt3A_54, %div3A_53, %broadcast_in_dim3A_56 : vector<16x1xf32>
    %sub3A_57 = vector.broadcast %div3A_39 : vector<16x1xf32> to vector<16x512xf32>
    %sub3A_58 = arith.subf %add3A_29, %sub3A_57 : vector<16x512xf32>
    %add3A_59 = arith.constant 9.99999974E-6 : f32
    %add3A_60 = vector.broadcast %add3A_59 : f32 to vector<16x1xf32>
    %add3A_61 = arith.addf %select_n3A, %add3A_60 : vector<16x1xf32>
    %sqrt3A = math.sqrt %add3A_61 : vector<16x1xf32>
    %div3A_62 = vector.broadcast %sqrt3A : vector<16x1xf32> to vector<16x512xf32>
    %div3A_63 = arith.divf %sub3A_58, %div3A_62 : vector<16x512xf32>
    %mul3A = vector.broadcast %get3A_32 : vector<1x512xf32> to vector<16x512xf32>
    %mul3A_64 = arith.mulf %div3A_63, %mul3A : vector<16x512xf32>
    %add3A_65 = vector.broadcast %get3A_35 : vector<1x512xf32> to vector<16x512xf32>
    %add3A_66 = arith.addf %mul3A_64, %add3A_65 : vector<16x512xf32>
    %mul3A_67 = arith.constant 5.000000e-01 : f32
    %mul3A_68 = vector.broadcast %mul3A_67 : f32 to vector<16x512xf32>
    %mul3A_69 = arith.mulf %mul3A_68, %add3A_66 : vector<16x512xf32>
    %mul3A_70 = arith.constant 0.707106769 : f32
    %mul3A_71 = vector.broadcast %mul3A_70 : f32 to vector<16x512xf32>
    %mul3A_72 = arith.mulf %add3A_66, %mul3A_71 : vector<16x512xf32>
    %abs3A = math.absf %mul3A_72 : vector<16x512xf32>
    %mul3A_73 = arith.constant 0.327591091 : f32
    %mul3A_74 = vector.broadcast %mul3A_73 : f32 to vector<16x512xf32>
    %mul3A_75 = arith.mulf %mul3A_74, %abs3A : vector<16x512xf32>
    %add3A_76 = arith.constant 1.000000e+00 : f32
    %add3A_77 = vector.broadcast %add3A_76 : f32 to vector<16x512xf32>
    %add3A_78 = arith.addf %add3A_77, %mul3A_75 : vector<16x512xf32>
    %div3A_79 = arith.constant 1.000000e+00 : f32
    %div3A_80 = vector.broadcast %div3A_79 : f32 to vector<16x512xf32>
    %div3A_81 = arith.divf %div3A_80, %add3A_78 : vector<16x512xf32>
    %mul3A_82 = arith.constant 1.06140542 : f32
    %mul3A_83 = vector.broadcast %mul3A_82 : f32 to vector<16x512xf32>
    %mul3A_84 = arith.mulf %div3A_81, %mul3A_83 : vector<16x512xf32>
    %add3A_85 = arith.constant -1.45315206 : f32
    %add3A_86 = vector.broadcast %add3A_85 : f32 to vector<16x512xf32>
    %add3A_87 = arith.addf %add3A_86, %mul3A_84 : vector<16x512xf32>
    %mul3A_88 = arith.mulf %div3A_81, %add3A_87 : vector<16x512xf32>
    %add3A_89 = arith.constant 1.42141378 : f32
    %add3A_90 = vector.broadcast %add3A_89 : f32 to vector<16x512xf32>
    %add3A_91 = arith.addf %add3A_90, %mul3A_88 : vector<16x512xf32>
    %mul3A_92 = arith.mulf %div3A_81, %add3A_91 : vector<16x512xf32>
    %add3A_93 = arith.constant -0.284496725 : f32
    %add3A_94 = vector.broadcast %add3A_93 : f32 to vector<16x512xf32>
    %add3A_95 = arith.addf %add3A_94, %mul3A_92 : vector<16x512xf32>
    %mul3A_96 = arith.mulf %div3A_81, %add3A_95 : vector<16x512xf32>
    %add3A_97 = arith.constant 0.254829586 : f32
    %add3A_98 = vector.broadcast %add3A_97 : f32 to vector<16x512xf32>
    %add3A_99 = arith.addf %add3A_98, %mul3A_96 : vector<16x512xf32>
    %mul3A_100 = arith.mulf %div3A_81, %add3A_99 : vector<16x512xf32>
    %neg3A = arith.constant 0.000000e+00 : f32
    %neg3A_101 = vector.broadcast %neg3A : f32 to vector<16x512xf32>
    %neg3A_102 = arith.subf %neg3A_101, %abs3A : vector<16x512xf32>
    %mul3A_103 = arith.mulf %neg3A_102, %abs3A : vector<16x512xf32>
    %exp3A = math.exp %mul3A_103 : vector<16x512xf32>
    %mul3A_104 = arith.mulf %mul3A_100, %exp3A : vector<16x512xf32>
    %sub3A_105 = arith.constant 1.000000e+00 : f32
    %sub3A_106 = vector.broadcast %sub3A_105 : f32 to vector<16x512xf32>
    %sub3A_107 = arith.subf %sub3A_106, %mul3A_104 : vector<16x512xf32>
    %sign3A = tpu.bitcast %mul3A_72 : vector<16x512xf32> -> vector<16x512xi32>
    %sign3A_108 = arith.constant -2147483648 : i32
    %sign3A_109 = vector.broadcast %sign3A_108 : i32 to vector<16x512xi32>
    %sign3A_110 = arith.andi %sign3A, %sign3A_109 : vector<16x512xi32>
    %sign3A_111 = arith.constant 1065353216 : i32
    %sign3A_112 = vector.broadcast %sign3A_111 : i32 to vector<16x512xi32>
    %sign3A_113 = arith.ori %sign3A_112, %sign3A_110 : vector<16x512xi32>
    %sign3A_114 = tpu.bitcast %sign3A_113 : vector<16x512xi32> -> vector<16x512xf32>
    %sign3A_115 = math.absf %mul3A_72 : vector<16x512xf32>
    %sign3A_116 = arith.constant 0.000000e+00 : f32
    %sign3A_117 = vector.broadcast %sign3A_116 : f32 to vector<16x512xf32>
    %sign3A_118 = arith.cmpf ogt, %sign3A_115, %sign3A_117 : vector<16x512xf32>
    %sign3A_119 = arith.select %sign3A_118, %sign3A_114, %mul3A_72 : vector<16x512xi1>, vector<16x512xf32>
    %mul3A_120 = arith.mulf %sign3A_119, %sub3A_107 : vector<16x512xf32>
    %add3A_121 = arith.constant 1.000000e+00 : f32
    %add3A_122 = vector.broadcast %add3A_121 : f32 to vector<16x512xf32>
    %add3A_123 = arith.addf %add3A_122, %mul3A_120 : vector<16x512xf32>
    %mul3A_124 = arith.mulf %mul3A_69, %add3A_123 : vector<16x512xf32>
    %get3A_125 = arith.constant 0 : index
    %get3A_126 = arith.constant 0 : index
    %get3A_127 = vector.load %arg9[%get3A_125, %get3A_126] : memref<512x256xf32, #tpu.memory_space<vmem>>, vector<512x256xf32>
    %dot_general3A_128 = arith.constant dense<0.000000e+00> : vector<16x256xf32>
    %dot_general3A_129 = tpu.matmul %mul3A_124, %get3A_127, %dot_general3A_128 {dimension_numbers = #tpu.dot_dimension_numbers<[1], [0], [0], [1], [0, 0, 1, 1], [], []>, transpose_lhs_hint = false} : vector<16x512xf32>, vector<512x256xf32>, vector<16x256xf32> -> vector<16x256xf32>
    %get3A_130 = arith.constant 0 : index
    %get3A_131 = arith.constant 0 : index
    %get3A_132 = vector.load %arg10[%get3A_130, %get3A_131] : memref<1x256xf32, #tpu.memory_space<vmem>>, vector<1x256xf32>
    %add3A_133 = vector.broadcast %get3A_132 : vector<1x256xf32> to vector<16x256xf32>
    %add3A_134 = arith.addf %dot_general3A_129, %add3A_133 : vector<16x256xf32>
    %get3A_135 = arith.constant 0 : index
    %get3A_136 = arith.constant 0 : index
    %get3A_137 = vector.load %arg11[%get3A_135, %get3A_136] : memref<1x256xf32, #tpu.memory_space<vmem>>, vector<1x256xf32>
    %get3A_138 = arith.constant 0 : index
    %get3A_139 = arith.constant 0 : index
    %get3A_140 = vector.load %arg12[%get3A_138, %get3A_139] : memref<1x256xf32, #tpu.memory_space<vmem>>, vector<1x256xf32>
    %reduce_sum3A_141 = arith.constant dense<0.000000e+00> : vector<16xf32>
    %reduce_sum3A_142 = vector.multi_reduction <add>, %add3A_134, %reduce_sum3A_141 [1] : vector<16x256xf32> to vector<16xf32>
    %broadcast_in_dim3A_143 = vector.shape_cast %reduce_sum3A_142 : vector<16xf32> to vector<16x1xf32>
    %div3A_144 = arith.constant 2.560000e+02 : f32
    %div3A_145 = vector.broadcast %div3A_144 : f32 to vector<16x1xf32>
    %div3A_146 = arith.divf %broadcast_in_dim3A_143, %div3A_145 : vector<16x1xf32>
    %jit3A_147 = arith.constant 0 : i32
    %reduce_sum3A_148 = arith.constant dense<0.000000e+00> : vector<16xf32>
    %reduce_sum3A_149 = vector.multi_reduction <add>, %add3A_134, %reduce_sum3A_148 [1] : vector<16x256xf32> to vector<16xf32>
    %broadcast_in_dim3A_150 = vector.shape_cast %reduce_sum3A_149 : vector<16xf32> to vector<16x1xf32>
    %div3A_151 = arith.constant 2.560000e+02 : f32
    %div3A_152 = vector.broadcast %div3A_151 : f32 to vector<16x1xf32>
    %div3A_153 = arith.divf %broadcast_in_dim3A_150, %div3A_152 : vector<16x1xf32>
    %sub3A_154 = vector.broadcast %div3A_153 : vector<16x1xf32> to vector<16x256xf32>
    %sub3A_155 = arith.subf %add3A_134, %sub3A_154 : vector<16x256xf32>
    %square3A_156 = arith.mulf %sub3A_155, %sub3A_155 : vector<16x256xf32>
    %convert_element_type3A_157 = arith.sitofp %jit3A_147 : i32 to f32
    %sub3A_158 = arith.constant 2.560000e+02 : f32
    %sub3A_159 = arith.subf %sub3A_158, %convert_element_type3A_157 : f32
    %reduce_sum3A_160 = arith.constant dense<0.000000e+00> : vector<16xf32>
    %reduce_sum3A_161 = vector.multi_reduction <add>, %square3A_156, %reduce_sum3A_160 [1] : vector<16x256xf32> to vector<16xf32>
    %broadcast_in_dim3A_162 = vector.shape_cast %reduce_sum3A_161 : vector<16xf32> to vector<16x1xf32>
    %div3A_163 = vector.broadcast %sub3A_159 : f32 to vector<16x1xf32>
    %div3A_164 = arith.divf %broadcast_in_dim3A_162, %div3A_163 : vector<16x1xf32>
    %gt3A_165 = arith.constant 0.000000e+00 : f32
    %gt3A_166 = arith.cmpf ogt, %sub3A_159, %gt3A_165 : f32
    %jit3A_167 = arith.constant 0x7FC00000 : f32
    %broadcast_in_dim3A_168 = vector.broadcast %jit3A_167 : f32 to vector<16x1xf32>
    %select_n3A_169 = arith.select %gt3A_166, %div3A_164, %broadcast_in_dim3A_168 : vector<16x1xf32>
    %sub3A_170 = vector.broadcast %div3A_146 : vector<16x1xf32> to vector<16x256xf32>
    %sub3A_171 = arith.subf %add3A_134, %sub3A_170 : vector<16x256xf32>
    %add3A_172 = arith.constant 9.99999974E-6 : f32
    %add3A_173 = vector.broadcast %add3A_172 : f32 to vector<16x1xf32>
    %add3A_174 = arith.addf %select_n3A_169, %add3A_173 : vector<16x1xf32>
    %sqrt3A_175 = math.sqrt %add3A_174 : vector<16x1xf32>
    %div3A_176 = vector.broadcast %sqrt3A_175 : vector<16x1xf32> to vector<16x256xf32>
    %div3A_177 = arith.divf %sub3A_171, %div3A_176 : vector<16x256xf32>
    %mul3A_178 = vector.broadcast %get3A_137 : vector<1x256xf32> to vector<16x256xf32>
    %mul3A_179 = arith.mulf %div3A_177, %mul3A_178 : vector<16x256xf32>
    %add3A_180 = vector.broadcast %get3A_140 : vector<1x256xf32> to vector<16x256xf32>
    %add3A_181 = arith.addf %mul3A_179, %add3A_180 : vector<16x256xf32>
    %mul3A_182 = arith.constant 5.000000e-01 : f32
    %mul3A_183 = vector.broadcast %mul3A_182 : f32 to vector<16x256xf32>
    %mul3A_184 = arith.mulf %mul3A_183, %add3A_181 : vector<16x256xf32>
    %mul3A_185 = arith.constant 0.707106769 : f32
    %mul3A_186 = vector.broadcast %mul3A_185 : f32 to vector<16x256xf32>
    %mul3A_187 = arith.mulf %add3A_181, %mul3A_186 : vector<16x256xf32>
    %abs3A_188 = math.absf %mul3A_187 : vector<16x256xf32>
    %mul3A_189 = arith.constant 0.327591091 : f32
    %mul3A_190 = vector.broadcast %mul3A_189 : f32 to vector<16x256xf32>
    %mul3A_191 = arith.mulf %mul3A_190, %abs3A_188 : vector<16x256xf32>
    %add3A_192 = arith.constant 1.000000e+00 : f32
    %add3A_193 = vector.broadcast %add3A_192 : f32 to vector<16x256xf32>
    %add3A_194 = arith.addf %add3A_193, %mul3A_191 : vector<16x256xf32>
    %div3A_195 = arith.constant 1.000000e+00 : f32
    %div3A_196 = vector.broadcast %div3A_195 : f32 to vector<16x256xf32>
    %div3A_197 = arith.divf %div3A_196, %add3A_194 : vector<16x256xf32>
    %mul3A_198 = arith.constant 1.06140542 : f32
    %mul3A_199 = vector.broadcast %mul3A_198 : f32 to vector<16x256xf32>
    %mul3A_200 = arith.mulf %div3A_197, %mul3A_199 : vector<16x256xf32>
    %add3A_201 = arith.constant -1.45315206 : f32
    %add3A_202 = vector.broadcast %add3A_201 : f32 to vector<16x256xf32>
    %add3A_203 = arith.addf %add3A_202, %mul3A_200 : vector<16x256xf32>
    %mul3A_204 = arith.mulf %div3A_197, %add3A_203 : vector<16x256xf32>
    %add3A_205 = arith.constant 1.42141378 : f32
    %add3A_206 = vector.broadcast %add3A_205 : f32 to vector<16x256xf32>
    %add3A_207 = arith.addf %add3A_206, %mul3A_204 : vector<16x256xf32>
    %mul3A_208 = arith.mulf %div3A_197, %add3A_207 : vector<16x256xf32>
    %add3A_209 = arith.constant -0.284496725 : f32
    %add3A_210 = vector.broadcast %add3A_209 : f32 to vector<16x256xf32>
    %add3A_211 = arith.addf %add3A_210, %mul3A_208 : vector<16x256xf32>
    %mul3A_212 = arith.mulf %div3A_197, %add3A_211 : vector<16x256xf32>
    %add3A_213 = arith.constant 0.254829586 : f32
    %add3A_214 = vector.broadcast %add3A_213 : f32 to vector<16x256xf32>
    %add3A_215 = arith.addf %add3A_214, %mul3A_212 : vector<16x256xf32>
    %mul3A_216 = arith.mulf %div3A_197, %add3A_215 : vector<16x256xf32>
    %neg3A_217 = arith.constant 0.000000e+00 : f32
    %neg3A_218 = vector.broadcast %neg3A_217 : f32 to vector<16x256xf32>
    %neg3A_219 = arith.subf %neg3A_218, %abs3A_188 : vector<16x256xf32>
    %mul3A_220 = arith.mulf %neg3A_219, %abs3A_188 : vector<16x256xf32>
    %exp3A_221 = math.exp %mul3A_220 : vector<16x256xf32>
    %mul3A_222 = arith.mulf %mul3A_216, %exp3A_221 : vector<16x256xf32>
    %sub3A_223 = arith.constant 1.000000e+00 : f32
    %sub3A_224 = vector.broadcast %sub3A_223 : f32 to vector<16x256xf32>
    %sub3A_225 = arith.subf %sub3A_224, %mul3A_222 : vector<16x256xf32>
    %sign3A_226 = tpu.bitcast %mul3A_187 : vector<16x256xf32> -> vector<16x256xi32>
    %sign3A_227 = arith.constant -2147483648 : i32
    %sign3A_228 = vector.broadcast %sign3A_227 : i32 to vector<16x256xi32>
    %sign3A_229 = arith.andi %sign3A_226, %sign3A_228 : vector<16x256xi32>
    %sign3A_230 = arith.constant 1065353216 : i32
    %sign3A_231 = vector.broadcast %sign3A_230 : i32 to vector<16x256xi32>
    %sign3A_232 = arith.ori %sign3A_231, %sign3A_229 : vector<16x256xi32>
    %sign3A_233 = tpu.bitcast %sign3A_232 : vector<16x256xi32> -> vector<16x256xf32>
    %sign3A_234 = math.absf %mul3A_187 : vector<16x256xf32>
    %sign3A_235 = arith.constant 0.000000e+00 : f32
    %sign3A_236 = vector.broadcast %sign3A_235 : f32 to vector<16x256xf32>
    %sign3A_237 = arith.cmpf ogt, %sign3A_234, %sign3A_236 : vector<16x256xf32>
    %sign3A_238 = arith.select %sign3A_237, %sign3A_233, %mul3A_187 : vector<16x256xi1>, vector<16x256xf32>
    %mul3A_239 = arith.mulf %sign3A_238, %sub3A_225 : vector<16x256xf32>
    %add3A_240 = arith.constant 1.000000e+00 : f32
    %add3A_241 = vector.broadcast %add3A_240 : f32 to vector<16x256xf32>
    %add3A_242 = arith.addf %add3A_241, %mul3A_239 : vector<16x256xf32>
    %mul3A_243 = arith.mulf %mul3A_184, %add3A_242 : vector<16x256xf32>
    %get3A_244 = arith.constant 0 : index
    %get3A_245 = arith.constant 0 : index
    %get3A_246 = vector.load %arg13[%get3A_244, %get3A_245] : memref<256x50xf32, #tpu.memory_space<vmem>>, vector<256x50xf32>
    %dot_general3A_247 = arith.constant dense<0.000000e+00> : vector<16x50xf32>
    %dot_general3A_248 = tpu.matmul %mul3A_243, %get3A_246, %dot_general3A_247 {dimension_numbers = #tpu.dot_dimension_numbers<[1], [0], [0], [1], [0, 0, 1, 1], [], []>, transpose_lhs_hint = false} : vector<16x256xf32>, vector<256x50xf32>, vector<16x50xf32> -> vector<16x50xf32>
    %get3A_249 = arith.constant 0 : index
    %get3A_250 = arith.constant 0 : index
    %get3A_251 = vector.load %arg14[%get3A_249, %get3A_250] : memref<1x50xf32, #tpu.memory_space<vmem>>, vector<1x50xf32>
    %add3A_252 = vector.broadcast %get3A_251 : vector<1x50xf32> to vector<16x50xf32>
    %add3A_253 = arith.addf %dot_general3A_248, %add3A_252 : vector<16x50xf32>
    %swap3A = arith.constant 0 : index
    %swap3A_254 = arith.constant 0 : index
    %swap3A_255 = vector.load %arg15[%swap3A, %swap3A_254] : memref<16x50xf32, #tpu.memory_space<vmem>>, vector<16x50xf32>
    tpu.vector_store %arg15[%swap3A, %swap3A_254], %add3A_253 {strides = array<i32>} : memref<16x50xf32, #tpu.memory_space<vmem>>, vector<16x50xf32>,
    return
  }
}

</mosaic_0001>

<sc_bundles>
// kernel: kernel.5.cloned.1.call-start
scs
__scs_entry_jumppad:
0x0: {  	(pc) =	sbr.rel $0x88, $3  }
0x1: {  	(tag) =	ssettag $0x0;
	lr =	simm.s32 $0x1  }
0x2: {  	[smem:$0x3F95] =	sst lr;
	_ =	strace $0xD0000000  }
0x3: {  	_ = 	snop  }
0x4: {  	_ = 	snop  }
0x5: {  	_ = 	snop  }
0x6: {  	_ = 	snop  }
0x7: {  	_ = 	snop  }
__scs_overlays_trampoline_lowered:
0x8: {  	[smem:$0x3FA4] =	sst s0  }
0x9: {  	[smem:$0x3FA5] =	sst s1  }
0xa: {  	[smem:$0x3FA6] =	sst s2  }
0xb: {  	[smem:$0x3FA7] =	sst s3  }
0xc: {  	[smem:$0x3FA8] =	sst s4  }
0xd: {  	[smem:$0x3FA9] =	sst s5  }
0xe: {  	[smem:$0x3FAA] =	sst s6  }
0xf: {  	[smem:$0x3FAB] =	sst s7  }
0x10: {  	[smem:$0x3FAC] =	sst s8  }
0x11: {  	[smem:$0x3FAD] =	sst s9;
	s0 =	simm.s32 @!p0 $0x0  }
0x12: {  	s1 =	sld [smem:$0x3F93];
	s0 =	simm.s32 @p0 $0x1  }
0x13: {  	[smem:$0x3FAE] =	sst s0;
	s0 =	simm.s32 @!p1 $0x0  }
0x14: {  	s2 =	sld [smem:$0x3F92];
	s0 =	simm.s32 @p1 $0x1  }
0x15: {  	[smem:$0x3FAF] =	sst s0;
	s0 =	simm.s32 @!p2 $0x0  }
0x16: {  	s3 =	sld [smem:$0x3FDB];
	s0 =	simm.s32 @p2 $0x1  }
0x17: {  	s4 =	simm.s32 $0x1BF5;
	[smem:$0x3FB1] =	sst s0  }
0x18: {  	s0 =	sld [smem:$0x3F94];
	_ =	swait.ge [sflag:s4], $0x0  }
0x19: {  	s7 =	sld [smem:$0x3F95]  }
0x1a: {  	s8 =	sadd.s32 $0xFFFFE003, lr  }
0x1b: {  	s9 =	sadd.s32 $0xFFFFFEF7, lr;
	s5 =	simm.s32 $0xFFFFFFFF;
	p2 =	slt.u32 s8, $0xFFFFF086  }
0x1c: {  	p1 =	slt.u32 s9, $0xF7A;
	s5 =	simm.s32 @!p2 $0x0  }
0x1d: {  	s5 =	simm.s32 @p1 $0x1;
	p0 =	seq.s32 s7, s2  }
0x1e: {  	s7 =	smul.u32 @!p0 $0xF7A, s2;
	p2 =	seq.s32 @!p0 s5, $0x0  }
0x1f: {  	s9 =	smul.u32 $0xF7A, s1;
	s8 =	simm.s32 @!p0 $0x1BF5;
	p2 =	por !p2, p0  }
0x20: {  	[sflag:s8] =	ssyncset.s32 @!p0 $0xFFFFF086;
	s6 =	sadd.s32 @!p0 s3, s7;
	s7 =	simm.s32 @!p0 $0x108  }
0x21: {  	s3 =	sadd.s32 s3, s9;
	s6 =	sadd.s32 @!p0 $0x88, s6;
	s7 =	simm.s32 @p2 $0x1082  }
0x22: {  	[simem:s7], [sflag:s8] =	dma.local @!p0 [hbm:s6], $0xF7A  }
0x23: {  	s9 =	sor.u32 $0xD0000000, s2;
	s6 =	simm.s32 $0x108;
	_ =	swait.ge @!p0 [sflag:s8], $0x0  }
0x24: {  	s3 =	sadd.s32 $0x88, s3;
	s6 =	simm.s32 @!p1 $0x1082;
	[sflag:s4] =	ssyncset.s32 $0xFFFFF086  }
0x25: {  	[simem:s6], [sflag:s4] =	dma.local [hbm:s3], $0xF7A  }
0x26: {  	[smem:$0x3F95] =	sst s1;
	(tag) =	ssettag s2;
	_ =	strace s9  }
0x27: {  	s1 =	sld [smem:$0x3FA5]  }
0x28: {  	s2 =	sld [smem:$0x3FA6]  }
0x29: {  	s4 =	sld [smem:$0x3FA8]  }
0x2a: {  	p0 =	seq.s32 s5, $0x0;
	s5 =	sld [smem:$0x3FA9]  }
0x2b: {  	s6 =	sld [smem:$0x3FAA]  }
0x2c: {  	s7 =	sld [smem:$0x3FAB]  }
0x2d: {  	s3 =	simm.s32 $0x108;
	s8 =	sld [smem:$0x3FAC]  }
0x2e: {  	s3 =	simm.s32 @!p0 $0x1082;
	s9 =	sld [smem:$0x3FAD]  }
0x2f: {  	lr =	sadd.s32 s0, s3;
	s0 =	sld [smem:$0x3FA4]  }
0x30: {  	s3 =	sld [smem:$0x3FA7]  }
0x31: {  	[smem:$0x3FB0] =	sst s10  }
0x32: {  	s10 =	sld [smem:$0x3FAE];
	_ =	sdelay $0x3  }
0x33: {  	p0 =	seq.s32 s10, $0x1;
	s10 =	sld [smem:$0x3FB0];
	_ =	sdelay $0x3  }
0x34: {  	[smem:$0x3FB0] =	sst s10  }
0x35: {  	s10 =	sld [smem:$0x3FAF];
	_ =	sdelay $0x3  }
0x36: {  	p1 =	seq.s32 s10, $0x1;
	s10 =	sld [smem:$0x3FB0];
	_ =	sdelay $0x3  }
0x37: {  	[smem:$0x3FB0] =	sst s10  }
0x38: {  	s10 =	sld [smem:$0x3FB1]  }
0x39: {  	_ = 	snop;
	(pc) =	sbr.ind lr, $3  }
0x3a: {  	_ = 	snop  }
0x3b: {  	_ = 	snop  }
0x3c: {  	p2 =	seq.s32 s10, $0x1;
	s10 =	sld [smem:$0x3FB0]  }
0x3d: {  	_ =	shalt  }
0x3e: {  	_ =	shalt  }
0x3f: {  	_ =	shalt  }
0x40: {  	_ =	shalt  }
0x41: {  	_ =	shalt  }
0x42: {  	_ =	shalt  }
0x43: {  	_ =	shalt  }
0x44: {  	_ =	shalt  }
0x45: {  	_ =	shalt  }
0x46: {  	_ =	shalt  }
0x47: {  	_ =	shalt  }
0x48: {  	_ =	shalt  }
0x49: {  	_ =	shalt  }
0x4a: {  	_ =	shalt  }
0x4b: {  	_ =	shalt  }
0x4c: {  	_ =	shalt  }
0x4d: {  	_ =	shalt  }
0x4e: {  	_ =	shalt  }
0x4f: {  	_ =	shalt  }
0x50: {  	_ =	shalt  }
0x51: {  	_ =	shalt  }
0x52: {  	_ =	shalt  }
0x53: {  	_ =	shalt  }
0x54: {  	_ =	shalt  }
0x55: {  	_ =	shalt  }
0x56: {  	_ =	shalt  }
0x57: {  	_ =	shalt  }
0x58: {  	_ =	shalt  }
0x59: {  	_ =	shalt  }
0x5a: {  	_ =	shalt  }
0x5b: {  	_ =	shalt  }
0x5c: {  	_ =	shalt  }
0x5d: {  	_ =	shalt  }
0x5e: {  	_ =	shalt  }
0x5f: {  	_ =	shalt  }
0x60: {  	_ =	shalt  }
0x61: {  	_ =	shalt  }
0x62: {  	_ =	shalt  }
0x63: {  	_ =	shalt  }
0x64: {  	_ =	shalt  }
0x65: {  	_ =	shalt  }
0x66: {  	_ =	shalt  }
0x67: {  	_ =	shalt  }
0x68: {  	_ =	shalt  }
0x69: {  	_ =	shalt  }
0x6a: {  	_ =	shalt  }
0x6b: {  	_ =	shalt  }
0x6c: {  	_ =	shalt  }
0x6d: {  	_ =	shalt  }
0x6e: {  	_ =	shalt  }
0x6f: {  	_ =	shalt  }
0x70: {  	_ =	shalt  }
0x71: {  	_ =	shalt  }
0x72: {  	_ =	shalt  }
0x73: {  	_ =	shalt  }
0x74: {  	_ =	shalt  }
0x75: {  	_ =	shalt  }
0x76: {  	_ =	shalt  }
0x77: {  	_ =	shalt  }
0x78: {  	_ =	shalt  }
0x79: {  	_ =	shalt  }
0x7a: {  	_ =	shalt  }
0x7b: {  	_ =	shalt  }
0x7c: {  	_ =	shalt  }
0x7d: {  	_ =	shalt  }
0x7e: {  	_ =	shalt  }
0x7f: {  	_ =	shalt  }
0x80: {  	_ =	shalt  }
0x81: {  	_ =	shalt  }
0x82: {  	_ =	shalt  }
0x83: {  	_ =	shalt  }
0x84: {  	_ =	shalt  }
0x85: {  	_ =	shalt  }
0x86: {  	_ =	shalt  }
0x87: {  	_ =	shalt  }
.Lfunc_end0:
.L_simem_size_0:
called_computation_lowered:
.L_overlay_start_0:
0x88: {  	s2 =	sld [smem:$0x3FD9]  }
0x89: {  	s3 =	sld [smem:$0x3FFE];
	_ =	sdelay $0x1  }
0x8a: {  	s1 =	srdreg.scid  }
0x8b: {  	s0 =	sand.u32 $0x1, s1  }
0x8c: {  	s17 =	sshll.u32 s0, $0xA;
	s2 =	sadd.s32 s3, s2  }
0x8d: {  	s2 =	sadd.s32 s2, s17  }
0x8e: {  	[smem:$0x3FBC] =	sst s2  }
0x8f: {  	_ = 	snop  }
0x90: {  	s2 =	sld [smem:$0x3FC9]  }
0x91: {  	s18 =	sld [smem:$0x3FC8];
	(tm) =	ssettm $0x1  }
0x92: {  	s4 =	sld [smem:$0x3FFB];
	_ =	sdelay $0x3  }
0x93: {  	_ =	strace s4  }
0x94: {  	s4 =	sld [smem:$0x3FFC];
	_ =	sdelay $0x3  }
0x95: {  	_ =	strace s4  }
0x96: {  	s4 =	sld [smem:$0x3FFD];
	_ =	sdelay $0x3  }
0x97: {  	_ =	strace s4  }
0x98: {  	_ =	strace $0x8FFFFFFF  }
0x99: {  	s19 =	sld [smem:$0x3FDB];
	_ =	sdelay $0x1  }
0x9a: {  	s5 =	simm.s32 $_scs_section_size  }
0x9b: {  	s6 =	simm.s32 $_size__tile_overlayer_lowered;
	s7 =	simm.s32 $_tile_overlayer_lowered  }
0x9c: {  	s22 =	simm.s32 $0x1BFF;
	s21 =	sshll.u32 s7, $0x1;
	s4 =	sadd.s32 s5, s19  }
0x9d: {  	s8 =	simm.s32 $0x0;
	s20 =	sshll.u32 s6, $0x1;
	s6 =	sadd.s32 s21, s4  }
0x9e: {  	[timem:s8], [sflag:s22] =	dma.local [hbm:s6], s20  }
0x9f: {  	_ =	swait.ge [sflag:s22], s20  }
0xa0: {  	s5 =	ssub.s32 $0x0, s20;
	[sflag:s22] =	ssyncset.done $0x0  }
0xa1: {  	[sflag:s22] =	ssyncadd.s32 s5;
	_ =	sdelay $0x1  }
0xa2: {  	s23 =	simm.s32 $0x1B8B  }
0xa3: {  	_ =	swait.ge [sflag:s23], $0x1  }
0xa4: {  	[sflag:s23] =	ssyncset.done $0x0  }
0xa5: {  	s25 =	simm.s32 $0x1B8E;
	s24 =	sld [smem:$0x3FFE];
	[sflag:s23] =	ssyncadd.s32 $0xFFFFFFFF  }
0xa6: {  	s26 =	simm.s32 $execute0_lowered;
	[smem:$0x3FD2] =	sst s25  }
0xa7: {  	s6 =	sshll.u32 s26, $0x1;
	_ =	strace $0x80000046;
	[dreg:$0x1] =	wrdreg $0xFFFFFFFF  }
0xa8: {  	s28 =	simm.s32 $_size_execute0_lowered;
	s4 =	sadd.s32 s4, s6;
	[dreg:$0x0] =	wrdreg $0x0  }
0xa9: {  	s6 =	sshll.u32 s28, $0x1;
	[dreg:$0x2] =	wrdreg s4  }
0xaa: {  	[dreg:$0x3] =	wrdreg s6  }
0xab: {  	[dreg:$0x4] =	wrdreg $0xC0  }
0xac: {  	_ =	task [dreg:s8], $0x5FFFF  }
0xad: {  	[dreg:$0x1] =	wrdreg $0xFFFFFFFF  }
0xae: {  	[dreg:$0x0] =	wrdreg $0x60  }
0xaf: {  	[dreg:$0x2] =	wrdreg s2  }
0xb0: {  	[dreg:$0x3] =	wrdreg s18  }
0xb1: {  	[dreg:$0x4] =	wrdreg s24  }
0xb2: {  	[dreg:$0x5] =	wrdreg $0x9  }
0xb3: {  	_ =	task.clear_ibuf [dreg:s8], $0x6FFFF;
	_ =	strace $0x90000046  }
0xb4: {  	s29 =	simm.s32 $0x9;
	_ =	strace $0x80000048  }
0xb5: {  	_ =	swait.ge [sflag:s29], $0x1  }
0xb6: {  	[sflag:s29] =	ssyncadd.s32 $0xFFFFFFFF  }
0xb7: {  	_ =	strace $0x90000048  }
0xb8: {  	_ =	sfence  }
0xb9: {  	s30 =	sld [smem:$0x0];
	_ =	sdelay $0x2  }
0xba: {  	s31 =	sshll.u32 s1, $0xD;
	s1 =	sshrl.u32 s1, $0x2  }
0xbb: {  	s3 =	sand.u32 $0x4000, s31;
	s1 =	sadd.s32 s1, s30  }
0xbc: {  	s0 =	sor.u32 s3, s0;
	s1 =	sshll.u32 s1, $0x11  }
0xbd: {  	s0 =	sor.u32 s1, s0  }
0xbe: {  	s0 =	sadd.s32 $0x8F2B, s0  }
0xbf: {  	[sflag:s0] =	ssyncadd.remote.s32 $0x1  }
0xc0: {  	_ =	sfence.sel $0xFFFF  }
0xc1: {  	[dreg:$0x0] =	wrdreg $0xFFFFFFFF;
	(pc) =	sbr.abs _section_cstart, $3  }
0xc2: {  	[dreg:$0x1] =	wrdreg $0xFFFFFFFF  }
0xc3: {  	_ =	task.clear_ibuf [dreg:s8], $0x2FFFF;
	_ =	strace $0x9FFFFFFF  }
0xc4: {  	(tm) =	ssettm $0x7FFFFFFF  }
0xc5: {  	_ =	shalt  }
tec
execute0_lowered:
.L_overlay_start_1:
0x0: {  	(tag) =	ssettag $0x1  }
0x1: {  	s2 =	rddreg [dreg:$0x0]  }
0x2: {  	s3 =	rddreg [dreg:$0x1]  }
0x3: {  	s5 =	rddreg [dreg:$0x2];
	s1 =	stileid.u32  }
0x4: {  	s4 =	srdreg.scid;
	s0 =	rddreg [dreg:$0x3]  }
0x5: {  	s10 =	simm.s32 $0x400;
	s11 =	simm.s32 $0x8080;
	s12 =	simm.s32 $0x0  }
0x6: {  	s6 =	sand.u32 $0x1, s4;
	s7 =	sshll.u32 s1, $0x1;
	s4 =	simm.s32 $0x0  }
0x7: {  	s8 =	sshll.u32 s1, $0x6;
	s7 =	sor.u32 s6, s7;
	[smem:$0x7FF] =	sst s4  }
.Ltmp0:
0x8: {  	s8 =	sand.u32 $0x300, s8;
	s6 =	ssub.s32 $0x2, s6;
	(pc) =	sbr.rel .LBB2_1-.Ltmp0, $4  }
0x9: {  	s9 =	sshll.u32 s7, $0x4;
	s5 =	sadd.s32 s8, s5;
	s31 =	sshrl.u32 s6, $0x1  }
0xa: {  	_ =	strace $0x80000047;
	s30 =	sand.u32 $0x70, s9;
	s9 =	ssub.s32 s6, s31  }
0xb: {  	s8 =	sadd.s32 s30, s5;
	s5 =	smin.u32 s7, $0xE;
	s7 =	smax.u32 s9, $0x1  }
0xc: {  	s9 =	simm.s32 $0x80;
	s6 =	sadd.s32 $0x1A00, s8;
	s8 =	simm.s32 $0x1  }
.LBB2_2:
0xd: {  	v2 =	vimm.f32 $0.0e+00;
	v3 =	vimm.f32 $0.0e+00;
	v4 =	vimm.f32 $0.0e+00  }
0xe: {  	v5 =	vimm.f32 $0.0e+00;
	v6 =	vimm.f32 $0.0e+00;
	v7 =	vimm.f32 $0.0e+00  }
0xf: {  	v8 =	vimm.f32 $0.0e+00;
	v9 =	vimm.f32 $0.0e+00;
	v10 =	vimm.f32 $0.0e+00  }
0x10: {  	v11 =	vimm.f32 $0.0e+00;
	v12 =	vimm.f32 $0.0e+00;
	v13 =	vimm.f32 $0.0e+00  }
0x11: {  	v14 =	vimm.f32 $0.0e+00;
	v15 =	vimm.f32 $0.0e+00;
	v1 =	vimm.f32 $0.0e+00  }
.LBB2_9:
0x12: {  	[tilespmem:$0x8080] =	vst v0  }
0x13: {  	[tilespmem:$0x8090] =	vst v2  }
0x14: {  	[tilespmem:$0x80A0] =	vst v3  }
0x15: {  	[tilespmem:$0x80B0] =	vst v4  }
0x16: {  	[tilespmem:$0x80C0] =	vst v5  }
0x17: {  	[tilespmem:$0x80D0] =	vst v6  }
0x18: {  	[tilespmem:$0x80E0] =	vst v7  }
0x19: {  	[tilespmem:$0x80F0] =	vst v8  }
0x1a: {  	[tilespmem:$0x8100] =	vst v9  }
0x1b: {  	[tilespmem:$0x8110] =	vst v10  }
0x1c: {  	[tilespmem:$0x8120] =	vst v11  }
0x1d: {  	[tilespmem:$0x8130] =	vst v12  }
0x1e: {  	[tilespmem:$0x8140] =	vst v13  }
0x1f: {  	[tilespmem:$0x8150] =	vst v14;
	s12 =	sadd.s32 $0x1, s12  }
0x20: {  	[tilespmem:$0x8160] =	vst v15;
	p0 =	sne.s32 s12, s7  }
.Ltmp1:
0x21: {  	[tilespmem:$0x8170] =	vst v1;
	(pc) =	sbr.rel @!p0 .LBB2_10-.Ltmp1, $4  }
0x22: {  	[hbm4b:s6+s9] =	stream.strided.scatter [tilespmem:s11], [sflag:$0x1], $0x100, s10, s9, $0x38;
	[tilespmem:$0x8180] =	vst v63  }
0x23: {  	_ =	swait.ge [sflag:s8], $0x100  }
0x24: {  	[sflag:s8] =	ssyncset.done $0x0  }
0x25: {  	[sflag:s8] =	ssyncadd.s32 $0xFFFFFF00  }
.LBB2_1:
0x26: {  	[tilespmem:s4], [sflag:$0x1] =	stream.linear.gather [hbm4b:s3+s4], $0x10, $0x38;
	[tilespmem:$0x8180] =	vst v63  }
0x27: {  	_ =	swait.ge [sflag:s8], $0x10  }
0x28: {  	[sflag:s8] =	ssyncset.done $0x0  }
0x29: {  	[sflag:s8] =	ssyncadd.s32 $0xFFFFFFF0  }
0x2a: {  	v0 =	vld [tilespmem:$0x0];
	_ =	sdelay $0x4  }
0x2b: {  	(v2sf) =	vpush v0, $0x0  }
0x2c: {  	(v2sf) =	vpush v0, $0x1  }
0x2d: {  	(v2sf) =	vpush v0, $0x2  }
0x2e: {  	(v2sf) =	vpush v0, $0x3  }
0x2f: {  	(v2sf) =	vpush v0, $0x4  }
0x30: {  	(v2sf) =	vpush v0, $0x5  }
0x31: {  	(v2sf) =	vpush v0, $0x6  }
0x32: {  	(v2sf) =	vpush v0, $0x7  }
0x33: {  	(v2sf) =	vpush v0, $0x8  }
0x34: {  	(v2sf) =	vpush v0, $0x9  }
0x35: {  	(v2sf) =	vpush v0, $0xA  }
0x36: {  	(v2sf) =	vpush v0, $0xB  }
0x37: {  	(v2sf) =	vpush v0, $0xC  }
0x38: {  	(v2sf) =	vpush v0, $0xD  }
0x39: {  	(v2sf) =	vpush v0, $0xE  }
0x3a: {  	s13 =	spop (v2sf);
	(v2sf) =	vpush v0, $0xF  }
0x3b: {  	s14 =	spop (v2sf);
	[smem:$0x0] =	sst s13  }
0x3c: {  	s16 =	spop (v2sf);
	[smem:$0x1] =	sst s14  }
0x3d: {  	s17 =	spop (v2sf);
	[smem:$0x2] =	sst s16  }
0x3e: {  	s18 =	spop (v2sf);
	[smem:$0x3] =	sst s17  }
0x3f: {  	s19 =	spop (v2sf);
	[smem:$0x4] =	sst s18  }
0x40: {  	s20 =	spop (v2sf);
	[smem:$0x5] =	sst s19  }
0x41: {  	s21 =	spop (v2sf);
	[smem:$0x6] =	sst s20  }
0x42: {  	s22 =	spop (v2sf);
	[smem:$0x7] =	sst s21  }
0x43: {  	s23 =	spop (v2sf);
	[smem:$0x8] =	sst s22  }
0x44: {  	s24 =	spop (v2sf);
	[smem:$0x9] =	sst s23  }
0x45: {  	s25 =	spop (v2sf);
	[smem:$0xA] =	sst s24  }
0x46: {  	s26 =	spop (v2sf);
	[smem:$0xB] =	sst s25  }
0x47: {  	s28 =	spop (v2sf);
	[smem:$0xC] =	sst s26  }
0x48: {  	s29 =	spop (v2sf);
	[smem:$0xD] =	sst s28  }
0x49: {  	[smem:$0xE] =	sst s29;
	s30 =	spop (v2sf)  }
0x4a: {  	[smem:$0xF] =	sst s30  }
0x4b: {  	s13 =	sld [smem:s5+$0x1];
	_ =	sdelay $0x2  }
0x4c: {  	s31 =	sshra.s32 s13, $0x1F  }
0x4d: {  	s14 =	sshrl.u32 s31, $0x19  }
0x4e: {  	s14 =	sadd.s32 s14, s13  }
0x4f: {  	s14 =	sand.u32 $0xFFFFFF80, s14  }
0x50: {  	s13 =	ssub.s32 s13, s14  }
0x51: {  	s15 =	sshll.u32 s14, $0x5;
	p0 =	slt.s32 s13, $0x1  }
.Ltmp2:
0x52: {  	s15 =	sadd.s32 s2, s15;
	(pc) =	sbr.rel @p0 .LBB2_2-.Ltmp2, $4  }
0x53: {  	[tilespmem:s9], [sflag:$0x1] =	stream.linear.gather [hbm4b:s15+s4], $0x8000, $0x38;
	[tilespmem:$0x8180] =	vst v63  }
0x54: {  	_ =	swait.ge [sflag:s8], $0x8000  }
0x55: {  	[sflag:s8] =	ssyncset.done $0x0  }
0x56: {  	v0 =	vimm.f32 $0.0e+00;
	[sflag:s8] =	ssyncadd.s32 $0xFFFF8000  }
0x57: {  	p1 =	sne.s32 s13, $0x1  }
.Ltmp3:
0x58: {  	_ = 	snop;
	(pc) =	sbr.rel @!p1 .LBB2_4-.Ltmp3, $3  }
0x59: {  	_ =	sdelay $0x1  }
0x5a: {  	s17 =	sand.u32 $0xFFFFF800, s4  }
0x5b: {  	s18 =	sand.u32 $0x380, s4;
	s16 =	sadd.s32 $0xFFFFFFFF, s13;
	p0 =	por $0x0, $0x0  }
0x5c: {  	s13 =	sor.u32 s18, s17  }
0x5d: {  	v1 =	vld [tilespmem:s13+$0x4F0]  }
0x5e: {  	v2 =	vld [tilespmem:s13+$0x80]  }
0x5f: {  	v3 =	vld [tilespmem:s13+$0x90]  }
0x60: {  	v4 =	vld [tilespmem:s13+$0xA0]  }
0x61: {  	v5 =	vld [tilespmem:s13+$0xB0]  }
0x62: {  	v6 =	vld [tilespmem:s13+$0xC0]  }
0x63: {  	v7 =	vld [tilespmem:s13+$0xD0]  }
0x64: {  	v8 =	vld [tilespmem:s13+$0xE0]  }
0x65: {  	v9 =	vld [tilespmem:s13+$0xF0]  }
0x66: {  	p1 =	sne.s32 s16, $0x1;
	v11 =	vimm.f32 $0.0e+00;
	v10 =	vld [tilespmem:s13+$0x480]  }
.Ltmp4:
0x67: {  	v12 =	vimm.f32 $0.0e+00;
	v17 =	vld [tilespmem:s13+$0x490];
	v1 =	vadd.f32 v1, v0;
	v2 =	vadd.f32 v2, v0;
	(pc) =	sbr.rel @!p1 .LBB2_6-.Ltmp4, $4  }
0x68: {  	v13 =	vimm.f32 $0.0e+00;
	v18 =	vld [tilespmem:s13+$0x4A0];
	v3 =	vadd.f32 v3, v0;
	v4 =	vadd.f32 v4, v0  }
0x69: {  	v14 =	vimm.f32 $0.0e+00;
	v19 =	vld [tilespmem:s13+$0x4B0];
	v5 =	vadd.f32 v5, v0;
	v6 =	vadd.f32 v6, v0  }
0x6a: {  	s14 =	sadd.s32 $0x100, s4;
	s15 =	sadd.s32 $0x80, s4;
	s16 =	sadd.s32 $0xFFFFFFFF, s16;
	v15 =	vimm.f32 $0.0e+00;
	v20 =	vld [tilespmem:s13+$0x4C0];
	v7 =	vadd.f32 v7, v0;
	v8 =	vadd.f32 v8, v0  }
0x6b: {  	p0 =	por $0x1, $0x1;
	v16 =	vimm.f32 $0.0e+00;
	s17 =	sand.u32 $0xFFFFF800, s14;
	s18 =	sand.u32 $0x380, s15;
	v21 =	vld [tilespmem:s13+$0x4D0];
	v9 =	vadd.f32 v9, v0;
	v10 =	vadd.f32 v10, v0  }
.LBB2_7:
0x6c: {  	p1 =	sne.s32 s16, $0x1;
	v11 =	vadd.f32 v17, v11;
	v17 =	vld [tilespmem:s13+$0x4E0];
	s13 =	sor.u32 s18, s17  }
0x6d: {  	v22 =	vld [tilespmem:s13+$0x4F0];
	v12 =	vadd.f32 v18, v12  }
0x6e: {  	v18 =	vld [tilespmem:s13+$0x80];
	v13 =	vadd.f32 v19, v13  }
0x6f: {  	v19 =	vld [tilespmem:s13+$0x90];
	v14 =	vadd.f32 v20, v14  }
0x70: {  	v20 =	vld [tilespmem:s13+$0xA0];
	v15 =	vadd.f32 v21, v15  }
0x71: {  	v21 =	vld [tilespmem:s13+$0xB0];
	v16 =	vadd.f32 v17, v16  }
0x72: {  	v17 =	vld [tilespmem:s13+$0xC0];
	v1 =	vadd.f32 v22, v1  }
0x73: {  	v2 =	vadd.f32 v18, v2;
	v18 =	vld [tilespmem:s13+$0xD0]  }
0x74: {  	v3 =	vadd.f32 v19, v3;
	v19 =	vld [tilespmem:s13+$0xE0]  }
0x75: {  	v4 =	vadd.f32 v20, v4;
	v20 =	vld [tilespmem:s13+$0xF0]  }
0x76: {  	v5 =	vadd.f32 v21, v5;
	v21 =	vld [tilespmem:s13+$0x480]  }
.Ltmp5:
0x77: {  	v6 =	vadd.f32 v17, v6;
	v17 =	vld [tilespmem:s13+$0x490];
	(pc) =	sbr.rel @p1 .LBB2_7-.Ltmp5, $4  }
0x78: {  	v7 =	vadd.f32 v18, v7;
	v18 =	vld [tilespmem:s13+$0x4A0]  }
0x79: {  	v8 =	vadd.f32 v19, v8;
	v19 =	vld [tilespmem:s13+$0x4B0]  }
0x7a: {  	s15 =	sadd.s32 $0x80, s15;
	s14 =	sadd.s32 $0x100, s14;
	v9 =	vadd.f32 v20, v9;
	v20 =	vld [tilespmem:s13+$0x4C0]  }
0x7b: {  	s16 =	sadd.s32 $0xFFFFFFFF, s16;
	s17 =	sand.u32 $0xFFFFF800, s14;
	s18 =	sand.u32 $0x380, s15;
	v10 =	vadd.f32 v21, v10;
	v21 =	vld [tilespmem:s13+$0x4D0]  }
.LBB2_8:
0x7c: {  	s14 =	sor.u32 s18, s17;
	v22 =	vld @p0 [tilespmem:s13+$0x4E0]  }
0x7d: {  	v23 =	vld [tilespmem:s14+$0x4F0]  }
0x7e: {  	v24 =	vld [tilespmem:s14+$0x80]  }
0x7f: {  	v25 =	vld [tilespmem:s14+$0x90]  }
0x80: {  	v26 =	vld [tilespmem:s14+$0xA0]  }
0x81: {  	v27 =	vld [tilespmem:s14+$0xB0]  }
0x82: {  	v28 =	vld [tilespmem:s14+$0xC0]  }
0x83: {  	v29 =	vld [tilespmem:s14+$0xD0]  }
0x84: {  	v30 =	vld [tilespmem:s14+$0xE0]  }
0x85: {  	v11 =	vadd.f32 @p0 v17, v11;
	v31 =	vld [tilespmem:s14+$0xF0];
	v12 =	vadd.f32 @p0 v18, v12  }
0x86: {  	v17 =	vld [tilespmem:s14+$0x480];
	v13 =	vadd.f32 @p0 v19, v13;
	v14 =	vadd.f32 @p0 v20, v14  }
0x87: {  	v57 =	vld [tilespmem:s14+$0x490];
	v15 =	vadd.f32 @p0 v21, v15;
	v16 =	vadd.f32 @p0 v22, v16  }
0x88: {  	v58 =	vld [tilespmem:s14+$0x4A0];
	v1 =	vadd.f32 v23, v1;
	v59 =	vadd.f32 v24, v2  }
0x89: {  	v60 =	vld [tilespmem:s14+$0x4B0];
	v2 =	vadd.f32 v25, v3;
	v3 =	vadd.f32 v26, v4  }
0x8a: {  	v61 =	vld [tilespmem:s14+$0x4C0];
	v4 =	vadd.f32 v27, v5;
	v5 =	vadd.f32 v28, v6  }
0x8b: {  	v62 =	vld [tilespmem:s14+$0x4D0];
	v6 =	vadd.f32 v29, v7;
	v7 =	vadd.f32 v30, v8  }
0x8c: {  	v63 =	vld [tilespmem:s14+$0x4E0];
	v8 =	vadd.f32 v31, v9;
	v9 =	vadd.f32 v17, v10  }
.Ltmp6:
0x8d: {  	v10 =	vpsel p0, v11, v0;
	v11 =	vpsel p0, v12, v0;
	v12 =	vpsel p0, v13, v0;
	(pc) =	sbr.rel .LBB2_9-.Ltmp6, $4  }
0x8e: {  	v13 =	vpsel p0, v14, v0;
	v14 =	vpsel p0, v15, v0;
	v0 =	vpsel p0, v16, v0  }
0x8f: {  	v10 =	vadd.f32 v57, v10;
	v11 =	vadd.f32 v58, v11  }
0x90: {  	v12 =	vadd.f32 v60, v12;
	v13 =	vadd.f32 v61, v13  }
0x91: {  	v14 =	vadd.f32 v62, v14;
	v15 =	vadd.f32 v63, v0;
	v0 =	vmov v59  }
.LBB2_4:
0x92: {  	v11 =	vimm.f32 $0.0e+00  }
.Ltmp7:
0x93: {  	v12 =	vimm.f32 $0.0e+00;
	v13 =	vimm.f32 $0.0e+00;
	v14 =	vimm.f32 $0.0e+00;
	(pc) =	sbr.rel .LBB2_8-.Ltmp7, $4  }
0x94: {  	v15 =	vimm.f32 $0.0e+00;
	v16 =	vimm.f32 $0.0e+00;
	v1 =	vimm.f32 $0.0e+00  }
0x95: {  	v2 =	vimm.f32 $0.0e+00;
	v3 =	vimm.f32 $0.0e+00;
	v4 =	vimm.f32 $0.0e+00  }
0x96: {  	v5 =	vimm.f32 $0.0e+00;
	v6 =	vimm.f32 $0.0e+00;
	v7 =	vimm.f32 $0.0e+00  }
0x97: {  	v8 =	vimm.f32 $0.0e+00;
	v9 =	vimm.f32 $0.0e+00;
	v10 =	vimm.f32 $0.0e+00  }
.LBB2_6:
.Ltmp8:
0x98: {  	(pc) =	sbr.rel .LBB2_8-.Ltmp8, $3  }
0x99: {  	_ =	sdelay $0x1  }
0x9a: {  	v11 =	vimm.f32 $0.0e+00;
	v12 =	vimm.f32 $0.0e+00;
	v13 =	vimm.f32 $0.0e+00  }
0x9b: {  	v14 =	vimm.f32 $0.0e+00;
	v15 =	vimm.f32 $0.0e+00;
	v16 =	vimm.f32 $0.0e+00  }
.LBB2_10:
0x9c: {  	_ =	sfence.sel $0x180000  }
0x9d: {  	[bflag:$0x0] =	sbarrier.arrive $0xFFFF  }
0x9e: {  	p0 =	sne.s32 s1, $0x0;
	_ =	strace $0x90000047  }
0x9f: {  	s0 =	sadd.s32 @!p0 $0x100000, s0;
	[bflag:$0x2] =	sbarrier.arrive $0xFFFF  }
0xa0: {  	[sflag:s0] =	ssyncadd.tile.s32 @!p0 $0x1;
	_ =	shalt  }
.Lfunc_end2:
_tile_overlayer_lowered:
.L_overlay_start_2:
0xa1: {  	(tag) =	ssettag $0x2  }
0xa2: {  	s0 =	rddreg [dreg:$0x0];
	s2 =	stileid.u32  }
0xa3: {  	s1 =	rddreg [dreg:$0x1];
	p0 =	sne.s32 s2, $0x0  }
0xa4: {  	s3 =	rddreg [dreg:$0x2];
	[bflag:$0x3] =	sbarrier.arrive $0xFFFF;
	s2 =	simm.s32 @!p0 $0x1C01  }
0xa5: {  	[timem:s3], [sflag:s2] =	dma.local @!p0 [hbm:s0], s1  }
0xa6: {  	s0 =	simm.s32 @!p0 $0x1  }
0xa7: {  	_ =	swait.ge @!p0 [sflag:s0], s1  }
0xa8: {  	s1 =	ssub.s32 @!p0 $0x0, s1;
	[sflag:s0] =	ssyncset.done @!p0 $0x0  }
0xa9: {  	[sflag:s0] =	ssyncadd.s32 @!p0 s1  }
0xaa: {  	[bflag:$0x3] =	sbarrier.arrive $0xFFFF  }
0xab: {  	_ =	shalt  }

</sc_bundles>
